<compile_context>
chip_gen: v7x
topology: tpu7x:2x2x1
jax: 0.10.2.dev20260603
libtpu: 0.0.44.dev20260713+nightly
codegen_flags: <defaults>
</compile_context>

<pallas_src>
import functools

import jax
import jax.numpy as jnp
from jax import lax
from jax.experimental import pallas as pl
from jax.experimental.pallas import tpu as pltpu
from jax.experimental.pallas import tpu_sc as plsc


def _pack_kernel(nf_ref, w_ref, m_ref, r_ref):
    w = w_ref[...]
    b_dim = nf_ref.shape[0]
    d_idx = jax.lax.broadcasted_iota(jnp.int32, (6, 2), 0)
    col = jax.lax.broadcasted_iota(jnp.int32, (6, 2), 1)
    shift = jnp.where(col == 0, d_idx, (d_idx + 3) % 6)
    wmr = (1 << shift).astype(jnp.float32)
    for b in range(b_dim):
        act = jnp.dot(nf_ref[b], w, preferred_element_type=jnp.float32)
        phtf = (act > 0).astype(jnp.float32)
        pk = jnp.dot(phtf, wmr, preferred_element_type=jnp.float32)
        pk = pk.astype(jnp.int32)
        m_ref[b] = jnp.transpose(pk[:, 0:1])
        r_ref[b] = jnp.transpose(pk[:, 1:2])


def _make_sc_main(B, N):
    NW = 32
    RPW = N // NW
    L = 16
    NCHUNK = N // L

    mesh = plsc.VectorSubcoreMesh(core_axis_name="c", subcore_axis_name="s")

    @functools.partial(
        pl.kernel,
        mesh=mesh,
        out_type=jax.ShapeDtypeStruct((B, N, N), jnp.float32),
        scratch_types=[
            pltpu.VMEM((2, N), jnp.int32),
            pltpu.VMEM((2, B, N), jnp.float32),
            pltpu.VMEM((B, N), jnp.int32),
            pltpu.VMEM((B * RPW,), jnp.int32),
            pltpu.SemaphoreType.DMA,
            pltpu.SemaphoreType.DMA,
        ],
    )
    def sc_main(dir_hbm, m_hbm, r_hbm, out_hbm, dirbuf, outbuf, rbuf, mbuf, sem_d, sem_o):
        wid = lax.axis_index("s") * 2 + lax.axis_index("c")
        base = wid * RPW
        pltpu.sync_copy(r_hbm.at[:, 0, :], rbuf)
        for b in range(B):
            pltpu.sync_copy(m_hbm.at[b, 0, pl.ds(base, RPW)],
                            mbuf.at[pl.ds(b * RPW, RPW)])

        def dir_copy(i, slot):
            return pltpu.make_async_copy(
                dir_hbm.at[base + i, :], dirbuf.at[slot], sem_d)

        def out_copy(i, slot, b):
            return pltpu.make_async_copy(
                outbuf.at[slot, b], out_hbm.at[b, base + i, :], sem_o)

        dir_copy(0, 0).start()

        def row_body(i, _):
            slot = i % 2

            @pl.when(i + 1 < RPW)
            def _prefetch():
                dir_copy(i + 1, (i + 1) % 2).start()

            dir_copy(i, slot).wait()

            @pl.when(i >= 2)
            def _drain():
                for b in range(B):
                    out_copy(i - 2, slot, b).wait()

            mbs = []
            for b in range(B):
                flat = b * RPW + i
                chunk = mbuf[pl.ds((flat // L) * L, L)]
                mbs.append(lax.gather(
                    chunk,
                    jnp.full((L, 1), flat % L, jnp.int32),
                    lax.GatherDimensionNumbers(
                        offset_dims=(), collapsed_slice_dims=(0,),
                        start_index_map=(0,)),
                    slice_sizes=(1,),
                    mode=lax.GatherScatterMode.PROMISE_IN_BOUNDS))

            def body(c, _, slot=slot, mbs=mbs):
                sl = pl.ds(c * L, L)
                d = dirbuf[slot, sl]
                for b in range(B):
                    rr = rbuf[b, sl]
                    outbuf[slot, b, sl] = (((mbs[b] & rr) >> d) & 1).astype(jnp.float32)
                return 0

            lax.fori_loop(0, NCHUNK, body, 0, unroll=4)

            for b in range(B):
                out_copy(i, slot, b).start()
            return 0

        lax.fori_loop(0, RPW, row_body, 0)
        for i in (RPW - 2, RPW - 1):
            for b in range(B):
                out_copy(i, i % 2, b).wait()

    return sc_main


@functools.partial(jax.jit, static_argnames=())
def kernel(node_features, direction_matrix, port_feature_mask):
    B, N, F = node_features.shape
    dir32 = direction_matrix.astype(jnp.int32)

    m, r = pl.pallas_call(
        _pack_kernel,
        out_shape=(
            jax.ShapeDtypeStruct((B, 1, N), jnp.int32),
            jax.ShapeDtypeStruct((B, 1, N), jnp.int32),
        ),
    )(node_features, port_feature_mask)

    out = _make_sc_main(B, N)(dir32, m, r)
    return out

# --- scband reference (transcript-rebuilt; emitter-appended) ---
"""Pipeline reference for scband-track-connectivity-computer-72172630442358 (READ-ONLY COPY).

The authoritative reference and input builder live on the scoring server;
editing this copy changes nothing except your own understanding.
"""

import jax, jax.numpy as jnp
import numpy as np


def _build_port_feature_mask(num_node_features=50):
    mask = np.zeros((num_node_features, 6), dtype=np.float32)
    feat_idx = 23
    for i in range(6):
        for j in range(i):
            mask[feat_idx, i] = 1.0
            mask[feat_idx, j] = 1.0
            feat_idx += 1
    for i in range(6):
        for k in range(2):
            mask[38 + i * 2 + k, i] = 1.0
    return jnp.asarray(mask)


def setup_inputs(seed: int = 0) -> dict:
    key = jax.random.key(seed)
    k1, k2 = jax.random.split(key)
    B, N, F = 4, 2048, 50
    node_features = jax.random.uniform(k1, (B, N, F), dtype=jnp.float32)
    direction_matrix = jax.random.randint(k2, (N, N), 0, 7, dtype=jnp.int64)
    port_feature_mask = _build_port_feature_mask(F)
    return {"node_features": node_features, "direction_matrix": direction_matrix, "port_feature_mask": port_feature_mask}


def reference(node_features, direction_matrix, port_feature_mask):
    B, N, _ = node_features.shape
    port_activity = node_features @ port_feature_mask
    port_has_track = (port_activity > 0).astype(jnp.float32)  # (B, N, 6)
    adj_mask = (direction_matrix != 6)
    dir_mat = direction_matrix.astype(jnp.int64)
    opp_dir = (dir_mat + 3) % 6
    dir_clamped = jnp.minimum(dir_mat, 5)
    opp_clamped = jnp.minimum(opp_dir, 5)
    # src_ports[b,i,j] = port_has_track[b, i, dir_clamped[i,j]]
    src_ports = jnp.take_along_axis(port_has_track[:, :, None, :], dir_clamped[None, :, :, None], axis=3)[..., 0]
    # dst_ports[b,i,j] = port_has_track[b, j, opp_clamped[i,j]]
    dst_ports = jnp.take_along_axis(port_has_track[:, None, :, :], opp_clamped[None, :, :, None], axis=3)[..., 0]
    return src_ports * dst_ports * adj_mask.astype(jnp.float32)[None, :, :]

if __name__ == "__main__":
    import jax
    _d = setup_inputs()
    print(jax.jit(kernel)(*tuple(_d.values())))

</pallas_src>

<mosaic_0001>
#map = affine_map<(d0, d1) -> (0, 0)>
#map1 = affine_map<(d0, d1) -> (0, 0, 0)>
module attributes {stable_mosaic.version = 14 : i64} {
  func.func @sc_main(%arg0: i32, %arg1: i32, %arg2: memref<2048x2048xi32, #tpu.memory_space<hbm>>, %arg3: memref<4x1x2048xi32, #tpu.memory_space<hbm>>, %arg4: memref<4x1x2048xi32, #tpu.memory_space<hbm>>, %arg5: memref<4x2048x2048xf32, #tpu.memory_space<hbm>>, %arg6: memref<2x2048xi32, #tpu.memory_space<vmem>>, %arg7: memref<2x4x2048xf32, #tpu.memory_space<vmem>>, %arg8: memref<4x2048xi32, #tpu.memory_space<vmem>>, %arg9: memref<256xi32, #tpu.memory_space<vmem>>, %arg10: memref<!tpu.dma_semaphore, #tpu.memory_space<semaphore_mem>>, %arg11: memref<!tpu.dma_semaphore, #tpu.memory_space<semaphore_mem>>) attributes {dimension_semantics = [#tpu.dimension_semantics<core_parallel>, #tpu.dimension_semantics<subcore_parallel>], iteration_bounds = array<i64: 2, 16>, scalar_prefetch = 0 : i64, scratch_operands = 6 : i64, tpu.core_type = #tpu.core_type<sc_vector_subcore>, window_params = [{transform_indices = #map}, {transform_indices = #map1}, {transform_indices = #map1}, {transform_indices = #map1}]} {
    %mul3A = arith.constant 2 : i32
    %mul3A_0 = arith.muli %arg1, %mul3A : i32
    %add3A = arith.addi %mul3A_0, %arg0 : i32
    %mul3A_1 = arith.constant 64 : i32
    %mul3A_2 = arith.muli %add3A, %mul3A_1 : i32
    %run_scoped3A = arith.constant 0 : i32
    "tpu.region"() ({
      %run_scoped3A_166 = tpu.sem_alloc : memref<!tpu.dma_semaphore, #tpu.memory_space<semaphore_mem>>
      %dma_start3A_167 = arith.constant 0 : i32
      %dma_start3A_168 = arith.constant 0 : i32
      %dma_start3A_169 = tpu.memref_slice %arg4[%dma_start3A_167, %run_scoped3A, %dma_start3A_168] : memref<4x1x2048xi32, #tpu.memory_space<hbm>> -> memref<4x1x2048xi32, #tpu.memory_space<hbm>>
      %dma_start3A_170 = tpu.memref_squeeze %dma_start3A_169 : memref<4x1x2048xi32, #tpu.memory_space<hbm>> -> memref<4x2048xi32, #tpu.memory_space<hbm>>
      %dma_start3A_171 = arith.constant 0 : i32
      %dma_start3A_172 = arith.constant 0 : i32
      %dma_start3A_173 = tpu.memref_slice %arg4[%dma_start3A_171, %run_scoped3A, %dma_start3A_172] : memref<4x1x2048xi32, #tpu.memory_space<hbm>> -> memref<4x1x2048xi32, #tpu.memory_space<hbm>>
      %dma_start3A_174 = tpu.memref_squeeze %dma_start3A_173 : memref<4x1x2048xi32, #tpu.memory_space<hbm>> -> memref<4x2048xi32, #tpu.memory_space<hbm>>
      tpu.enqueue_dma source(%dma_start3A_174 : memref<4x2048xi32, #tpu.memory_space<hbm>>) target(%arg8 : memref<4x2048xi32, #tpu.memory_space<vmem>>) target_semaphore(%run_scoped3A_166 : memref<!tpu.dma_semaphore, #tpu.memory_space<semaphore_mem>>)
      %dma_wait3A_175 = arith.constant 0 : i32
      %dma_wait3A_176 = arith.constant 0 : i32
      %dma_wait3A_177 = tpu.memref_slice %arg4[%dma_wait3A_175, %run_scoped3A, %dma_wait3A_176] : memref<4x1x2048xi32, #tpu.memory_space<hbm>> -> memref<4x1x2048xi32, #tpu.memory_space<hbm>>
      %dma_wait3A_178 = tpu.memref_squeeze %dma_wait3A_177 : memref<4x1x2048xi32, #tpu.memory_space<hbm>> -> memref<4x2048xi32, #tpu.memory_space<hbm>>
      %dma_wait3A_179 = arith.constant 0 : i32
      %dma_wait3A_180 = arith.constant 0 : i32
      %dma_wait3A_181 = tpu.memref_slice %arg4[%dma_wait3A_179, %run_scoped3A, %dma_wait3A_180] : memref<4x1x2048xi32, #tpu.memory_space<hbm>> -> memref<4x1x2048xi32, #tpu.memory_space<hbm>>
      %dma_wait3A_182 = tpu.memref_squeeze %dma_wait3A_181 : memref<4x1x2048xi32, #tpu.memory_space<hbm>> -> memref<4x2048xi32, #tpu.memory_space<hbm>>
      tpu.wait_dma2 semaphore(%run_scoped3A_166 : memref<!tpu.dma_semaphore, #tpu.memory_space<semaphore_mem>>) src(%dma_wait3A_182 : memref<4x2048xi32, #tpu.memory_space<hbm>>) dst(%arg8 : memref<4x2048xi32, #tpu.memory_space<vmem>>)
      tpu.yield
    }) : () -> ()
    %run_scoped3A_3 = arith.constant 0 : i32
    %run_scoped3A_4 = arith.constant 0 : i32
    "tpu.region"() ({
      %run_scoped3A_166 = tpu.sem_alloc : memref<!tpu.dma_semaphore, #tpu.memory_space<semaphore_mem>>
      %dma_start3A_167 = arith.constant 0 : i32
      %dma_start3A_168 = tpu.memref_slice %arg9[%dma_start3A_167] : memref<256xi32, #tpu.memory_space<vmem>> -> memref<64xi32, #tpu.memory_space<vmem>>
      %dma_start3A_169 = tpu.memref_slice %arg3[%run_scoped3A_3, %run_scoped3A_4, %mul3A_2] : memref<4x1x2048xi32, #tpu.memory_space<hbm>> -> memref<1x1x64xi32, #tpu.memory_space<hbm>>
      %dma_start3A_170 = tpu.memref_squeeze %dma_start3A_169 : memref<1x1x64xi32, #tpu.memory_space<hbm>> -> memref<64xi32, #tpu.memory_space<hbm>>
      %dma_start3A_171 = arith.constant 0 : i32
      %dma_start3A_172 = tpu.memref_slice %arg9[%dma_start3A_171] : memref<256xi32, #tpu.memory_space<vmem>> -> memref<64xi32, #tpu.memory_space<vmem>>
      %dma_start3A_173 = tpu.memref_slice %arg3[%run_scoped3A_3, %run_scoped3A_4, %mul3A_2] : memref<4x1x2048xi32, #tpu.memory_space<hbm>> -> memref<1x1x64xi32, #tpu.memory_space<hbm>>
      %dma_start3A_174 = tpu.memref_squeeze %dma_start3A_173 : memref<1x1x64xi32, #tpu.memory_space<hbm>> -> memref<64xi32, #tpu.memory_space<hbm>>
      tpu.enqueue_dma source(%dma_start3A_174 : memref<64xi32, #tpu.memory_space<hbm>>) target(%dma_start3A_172 : memref<64xi32, #tpu.memory_space<vmem>>) target_semaphore(%run_scoped3A_166 : memref<!tpu.dma_semaphore, #tpu.memory_space<semaphore_mem>>)
      %dma_wait3A_175 = arith.constant 0 : i32
      %dma_wait3A_176 = tpu.memref_slice %arg9[%dma_wait3A_175] : memref<256xi32, #tpu.memory_space<vmem>> -> memref<64xi32, #tpu.memory_space<vmem>>
      %dma_wait3A_177 = tpu.memref_slice %arg3[%run_scoped3A_3, %run_scoped3A_4, %mul3A_2] : memref<4x1x2048xi32, #tpu.memory_space<hbm>> -> memref<1x1x64xi32, #tpu.memory_space<hbm>>
      %dma_wait3A_178 = tpu.memref_squeeze %dma_wait3A_177 : memref<1x1x64xi32, #tpu.memory_space<hbm>> -> memref<64xi32, #tpu.memory_space<hbm>>
      %dma_wait3A_179 = arith.constant 0 : i32
      %dma_wait3A_180 = tpu.memref_slice %arg9[%dma_wait3A_179] : memref<256xi32, #tpu.memory_space<vmem>> -> memref<64xi32, #tpu.memory_space<vmem>>
      %dma_wait3A_181 = tpu.memref_slice %arg3[%run_scoped3A_3, %run_scoped3A_4, %mul3A_2] : memref<4x1x2048xi32, #tpu.memory_space<hbm>> -> memref<1x1x64xi32, #tpu.memory_space<hbm>>
      %dma_wait3A_182 = tpu.memref_squeeze %dma_wait3A_181 : memref<1x1x64xi32, #tpu.memory_space<hbm>> -> memref<64xi32, #tpu.memory_space<hbm>>
      tpu.wait_dma2 semaphore(%run_scoped3A_166 : memref<!tpu.dma_semaphore, #tpu.memory_space<semaphore_mem>>) src(%dma_wait3A_182 : memref<64xi32, #tpu.memory_space<hbm>>) dst(%dma_wait3A_180 : memref<64xi32, #tpu.memory_space<vmem>>)
      tpu.yield
    }) : () -> ()
    %run_scoped3A_5 = arith.constant 1 : i32
    %run_scoped3A_6 = arith.constant 0 : i32
    "tpu.region"() ({
      %run_scoped3A_166 = tpu.sem_alloc : memref<!tpu.dma_semaphore, #tpu.memory_space<semaphore_mem>>
      %dma_start3A_167 = arith.constant 64 : i32
      %dma_start3A_168 = tpu.memref_slice %arg9[%dma_start3A_167] : memref<256xi32, #tpu.memory_space<vmem>> -> memref<64xi32, #tpu.memory_space<vmem>>
      %dma_start3A_169 = tpu.memref_slice %arg3[%run_scoped3A_5, %run_scoped3A_6, %mul3A_2] : memref<4x1x2048xi32, #tpu.memory_space<hbm>> -> memref<1x1x64xi32, #tpu.memory_space<hbm>>
      %dma_start3A_170 = tpu.memref_squeeze %dma_start3A_169 : memref<1x1x64xi32, #tpu.memory_space<hbm>> -> memref<64xi32, #tpu.memory_space<hbm>>
      %dma_start3A_171 = arith.constant 64 : i32
      %dma_start3A_172 = tpu.memref_slice %arg9[%dma_start3A_171] : memref<256xi32, #tpu.memory_space<vmem>> -> memref<64xi32, #tpu.memory_space<vmem>>
      %dma_start3A_173 = tpu.memref_slice %arg3[%run_scoped3A_5, %run_scoped3A_6, %mul3A_2] : memref<4x1x2048xi32, #tpu.memory_space<hbm>> -> memref<1x1x64xi32, #tpu.memory_space<hbm>>
      %dma_start3A_174 = tpu.memref_squeeze %dma_start3A_173 : memref<1x1x64xi32, #tpu.memory_space<hbm>> -> memref<64xi32, #tpu.memory_space<hbm>>
      tpu.enqueue_dma source(%dma_start3A_174 : memref<64xi32, #tpu.memory_space<hbm>>) target(%dma_start3A_172 : memref<64xi32, #tpu.memory_space<vmem>>) target_semaphore(%run_scoped3A_166 : memref<!tpu.dma_semaphore, #tpu.memory_space<semaphore_mem>>)
      %dma_wait3A_175 = arith.constant 64 : i32
      %dma_wait3A_176 = tpu.memref_slice %arg9[%dma_wait3A_175] : memref<256xi32, #tpu.memory_space<vmem>> -> memref<64xi32, #tpu.memory_space<vmem>>
      %dma_wait3A_177 = tpu.memref_slice %arg3[%run_scoped3A_5, %run_scoped3A_6, %mul3A_2] : memref<4x1x2048xi32, #tpu.memory_space<hbm>> -> memref<1x1x64xi32, #tpu.memory_space<hbm>>
      %dma_wait3A_178 = tpu.memref_squeeze %dma_wait3A_177 : memref<1x1x64xi32, #tpu.memory_space<hbm>> -> memref<64xi32, #tpu.memory_space<hbm>>
      %dma_wait3A_179 = arith.constant 64 : i32
      %dma_wait3A_180 = tpu.memref_slice %arg9[%dma_wait3A_179] : memref<256xi32, #tpu.memory_space<vmem>> -> memref<64xi32, #tpu.memory_space<vmem>>
      %dma_wait3A_181 = tpu.memref_slice %arg3[%run_scoped3A_5, %run_scoped3A_6, %mul3A_2] : memref<4x1x2048xi32, #tpu.memory_space<hbm>> -> memref<1x1x64xi32, #tpu.memory_space<hbm>>
      %dma_wait3A_182 = tpu.memref_squeeze %dma_wait3A_181 : memref<1x1x64xi32, #tpu.memory_space<hbm>> -> memref<64xi32, #tpu.memory_space<hbm>>
      tpu.wait_dma2 semaphore(%run_scoped3A_166 : memref<!tpu.dma_semaphore, #tpu.memory_space<semaphore_mem>>) src(%dma_wait3A_182 : memref<64xi32, #tpu.memory_space<hbm>>) dst(%dma_wait3A_180 : memref<64xi32, #tpu.memory_space<vmem>>)
      tpu.yield
    }) : () -> ()
    %run_scoped3A_7 = arith.constant 2 : i32
    %run_scoped3A_8 = arith.constant 0 : i32
    "tpu.region"() ({
      %run_scoped3A_166 = tpu.sem_alloc : memref<!tpu.dma_semaphore, #tpu.memory_space<semaphore_mem>>
      %dma_start3A_167 = arith.constant 128 : i32
      %dma_start3A_168 = tpu.memref_slice %arg9[%dma_start3A_167] : memref<256xi32, #tpu.memory_space<vmem>> -> memref<64xi32, #tpu.memory_space<vmem>>
      %dma_start3A_169 = tpu.memref_slice %arg3[%run_scoped3A_7, %run_scoped3A_8, %mul3A_2] : memref<4x1x2048xi32, #tpu.memory_space<hbm>> -> memref<1x1x64xi32, #tpu.memory_space<hbm>>
      %dma_start3A_170 = tpu.memref_squeeze %dma_start3A_169 : memref<1x1x64xi32, #tpu.memory_space<hbm>> -> memref<64xi32, #tpu.memory_space<hbm>>
      %dma_start3A_171 = arith.constant 128 : i32
      %dma_start3A_172 = tpu.memref_slice %arg9[%dma_start3A_171] : memref<256xi32, #tpu.memory_space<vmem>> -> memref<64xi32, #tpu.memory_space<vmem>>
      %dma_start3A_173 = tpu.memref_slice %arg3[%run_scoped3A_7, %run_scoped3A_8, %mul3A_2] : memref<4x1x2048xi32, #tpu.memory_space<hbm>> -> memref<1x1x64xi32, #tpu.memory_space<hbm>>
      %dma_start3A_174 = tpu.memref_squeeze %dma_start3A_173 : memref<1x1x64xi32, #tpu.memory_space<hbm>> -> memref<64xi32, #tpu.memory_space<hbm>>
      tpu.enqueue_dma source(%dma_start3A_174 : memref<64xi32, #tpu.memory_space<hbm>>) target(%dma_start3A_172 : memref<64xi32, #tpu.memory_space<vmem>>) target_semaphore(%run_scoped3A_166 : memref<!tpu.dma_semaphore, #tpu.memory_space<semaphore_mem>>)
      %dma_wait3A_175 = arith.constant 128 : i32
      %dma_wait3A_176 = tpu.memref_slice %arg9[%dma_wait3A_175] : memref<256xi32, #tpu.memory_space<vmem>> -> memref<64xi32, #tpu.memory_space<vmem>>
      %dma_wait3A_177 = tpu.memref_slice %arg3[%run_scoped3A_7, %run_scoped3A_8, %mul3A_2] : memref<4x1x2048xi32, #tpu.memory_space<hbm>> -> memref<1x1x64xi32, #tpu.memory_space<hbm>>
      %dma_wait3A_178 = tpu.memref_squeeze %dma_wait3A_177 : memref<1x1x64xi32, #tpu.memory_space<hbm>> -> memref<64xi32, #tpu.memory_space<hbm>>
      %dma_wait3A_179 = arith.constant 128 : i32
      %dma_wait3A_180 = tpu.memref_slice %arg9[%dma_wait3A_179] : memref<256xi32, #tpu.memory_space<vmem>> -> memref<64xi32, #tpu.memory_space<vmem>>
      %dma_wait3A_181 = tpu.memref_slice %arg3[%run_scoped3A_7, %run_scoped3A_8, %mul3A_2] : memref<4x1x2048xi32, #tpu.memory_space<hbm>> -> memref<1x1x64xi32, #tpu.memory_space<hbm>>
      %dma_wait3A_182 = tpu.memref_squeeze %dma_wait3A_181 : memref<1x1x64xi32, #tpu.memory_space<hbm>> -> memref<64xi32, #tpu.memory_space<hbm>>
      tpu.wait_dma2 semaphore(%run_scoped3A_166 : memref<!tpu.dma_semaphore, #tpu.memory_space<semaphore_mem>>) src(%dma_wait3A_182 : memref<64xi32, #tpu.memory_space<hbm>>) dst(%dma_wait3A_180 : memref<64xi32, #tpu.memory_space<vmem>>)
      tpu.yield
    }) : () -> ()
    %run_scoped3A_9 = arith.constant 3 : i32
    %run_scoped3A_10 = arith.constant 0 : i32
    "tpu.region"() ({
      %run_scoped3A_166 = tpu.sem_alloc : memref<!tpu.dma_semaphore, #tpu.memory_space<semaphore_mem>>
      %dma_start3A_167 = arith.constant 192 : i32
      %dma_start3A_168 = tpu.memref_slice %arg9[%dma_start3A_167] : memref<256xi32, #tpu.memory_space<vmem>> -> memref<64xi32, #tpu.memory_space<vmem>>
      %dma_start3A_169 = tpu.memref_slice %arg3[%run_scoped3A_9, %run_scoped3A_10, %mul3A_2] : memref<4x1x2048xi32, #tpu.memory_space<hbm>> -> memref<1x1x64xi32, #tpu.memory_space<hbm>>
      %dma_start3A_170 = tpu.memref_squeeze %dma_start3A_169 : memref<1x1x64xi32, #tpu.memory_space<hbm>> -> memref<64xi32, #tpu.memory_space<hbm>>
      %dma_start3A_171 = arith.constant 192 : i32
      %dma_start3A_172 = tpu.memref_slice %arg9[%dma_start3A_171] : memref<256xi32, #tpu.memory_space<vmem>> -> memref<64xi32, #tpu.memory_space<vmem>>
      %dma_start3A_173 = tpu.memref_slice %arg3[%run_scoped3A_9, %run_scoped3A_10, %mul3A_2] : memref<4x1x2048xi32, #tpu.memory_space<hbm>> -> memref<1x1x64xi32, #tpu.memory_space<hbm>>
      %dma_start3A_174 = tpu.memref_squeeze %dma_start3A_173 : memref<1x1x64xi32, #tpu.memory_space<hbm>> -> memref<64xi32, #tpu.memory_space<hbm>>
      tpu.enqueue_dma source(%dma_start3A_174 : memref<64xi32, #tpu.memory_space<hbm>>) target(%dma_start3A_172 : memref<64xi32, #tpu.memory_space<vmem>>) target_semaphore(%run_scoped3A_166 : memref<!tpu.dma_semaphore, #tpu.memory_space<semaphore_mem>>)
      %dma_wait3A_175 = arith.constant 192 : i32
      %dma_wait3A_176 = tpu.memref_slice %arg9[%dma_wait3A_175] : memref<256xi32, #tpu.memory_space<vmem>> -> memref<64xi32, #tpu.memory_space<vmem>>
      %dma_wait3A_177 = tpu.memref_slice %arg3[%run_scoped3A_9, %run_scoped3A_10, %mul3A_2] : memref<4x1x2048xi32, #tpu.memory_space<hbm>> -> memref<1x1x64xi32, #tpu.memory_space<hbm>>
      %dma_wait3A_178 = tpu.memref_squeeze %dma_wait3A_177 : memref<1x1x64xi32, #tpu.memory_space<hbm>> -> memref<64xi32, #tpu.memory_space<hbm>>
      %dma_wait3A_179 = arith.constant 192 : i32
      %dma_wait3A_180 = tpu.memref_slice %arg9[%dma_wait3A_179] : memref<256xi32, #tpu.memory_space<vmem>> -> memref<64xi32, #tpu.memory_space<vmem>>
      %dma_wait3A_181 = tpu.memref_slice %arg3[%run_scoped3A_9, %run_scoped3A_10, %mul3A_2] : memref<4x1x2048xi32, #tpu.memory_space<hbm>> -> memref<1x1x64xi32, #tpu.memory_space<hbm>>
      %dma_wait3A_182 = tpu.memref_squeeze %dma_wait3A_181 : memref<1x1x64xi32, #tpu.memory_space<hbm>> -> memref<64xi32, #tpu.memory_space<hbm>>
      tpu.wait_dma2 semaphore(%run_scoped3A_166 : memref<!tpu.dma_semaphore, #tpu.memory_space<semaphore_mem>>) src(%dma_wait3A_182 : memref<64xi32, #tpu.memory_space<hbm>>) dst(%dma_wait3A_180 : memref<64xi32, #tpu.memory_space<vmem>>)
      tpu.yield
    }) : () -> ()
    %add3A_11 = arith.constant 0 : i32
    %add3A_12 = arith.addi %mul3A_2, %add3A_11 : i32
    %dma_start3A = arith.constant 0 : i32
    %dma_start3A_13 = arith.constant 0 : i32
    %dma_start3A_14 = tpu.memref_slice %arg6[%dma_start3A, %dma_start3A_13] : memref<2x2048xi32, #tpu.memory_space<vmem>> -> memref<1x2048xi32, #tpu.memory_space<vmem>>
    %dma_start3A_15 = tpu.memref_squeeze %dma_start3A_14 : memref<1x2048xi32, #tpu.memory_space<vmem>> -> memref<2048xi32, #tpu.memory_space<vmem>>
    %dma_start3A_16 = arith.constant 0 : i32
    %dma_start3A_17 = tpu.memref_slice %arg2[%add3A_12, %dma_start3A_16] : memref<2048x2048xi32, #tpu.memory_space<hbm>> -> memref<1x2048xi32, #tpu.memory_space<hbm>>
    %dma_start3A_18 = tpu.memref_squeeze %dma_start3A_17 : memref<1x2048xi32, #tpu.memory_space<hbm>> -> memref<2048xi32, #tpu.memory_space<hbm>>
    %dma_start3A_19 = arith.constant 0 : i32
    %dma_start3A_20 = tpu.memref_slice %arg6[%dma_start3A, %dma_start3A_19] : memref<2x2048xi32, #tpu.memory_space<vmem>> -> memref<1x2048xi32, #tpu.memory_space<vmem>>
    %dma_start3A_21 = tpu.memref_squeeze %dma_start3A_20 : memref<1x2048xi32, #tpu.memory_space<vmem>> -> memref<2048xi32, #tpu.memory_space<vmem>>
    %dma_start3A_22 = arith.constant 0 : i32
    %dma_start3A_23 = tpu.memref_slice %arg2[%add3A_12, %dma_start3A_22] : memref<2048x2048xi32, #tpu.memory_space<hbm>> -> memref<1x2048xi32, #tpu.memory_space<hbm>>
    %dma_start3A_24 = tpu.memref_squeeze %dma_start3A_23 : memref<1x2048xi32, #tpu.memory_space<hbm>> -> memref<2048xi32, #tpu.memory_space<hbm>>
    tpu.enqueue_dma source(%dma_start3A_24 : memref<2048xi32, #tpu.memory_space<hbm>>) target(%dma_start3A_21 : memref<2048xi32, #tpu.memory_space<vmem>>) target_semaphore(%arg10 : memref<!tpu.dma_semaphore, #tpu.memory_space<semaphore_mem>>)
    %scan3A = arith.constant 0 : i32
    %scan3A_25 = arith.constant 0 : i32
    %scan3A_26 = arith.constant 64 : i32
    %scan3A_27 = arith.addi %scan3A_25, %scan3A_26 : i32
    %scan3A_28 = arith.constant 1 : i32
    %scan3A_29 = scf.for %scan3A_166 = %scan3A_25 to %scan3A_27 step %scan3A_28 iter_args(%scan3A_167 = %scan3A) -> (i32)  : i32 {
      %jit3A = arith.constant 2 : i32
      %eq3A = arith.constant 0 : i32
      %eq3A_168 = arith.cmpi eq, %jit3A, %eq3A : i32
      %jit3A_169 = arith.constant 1 : i32
      %select_n3A = arith.select %eq3A_168, %jit3A_169, %jit3A : i32
      %rem3A = arith.remsi %scan3A_166, %select_n3A : i32
      %ne3A = arith.constant 0 : i32
      %ne3A_170 = arith.cmpi ne, %rem3A, %ne3A : i32
      %lt3A = arith.constant 0 : i32
      %lt3A_171 = arith.cmpi slt, %rem3A, %lt3A : i32
      %lt3A_172 = arith.constant 0 : i32
      %lt3A_173 = arith.cmpi slt, %select_n3A, %lt3A_172 : i32
      %ne3A_174 = arith.xori %lt3A_171, %lt3A_173 : i1
      %and3A = arith.andi %ne3A_174, %ne3A_170 : i1
      %add3A_175 = arith.addi %rem3A, %select_n3A : i32
      %select_n3A_176 = arith.select %and3A, %add3A_175, %rem3A : i32
      %add3A_177 = arith.constant 1 : i32
      %add3A_178 = arith.addi %scan3A_166, %add3A_177 : i32
      %lt3A_179 = arith.constant 64 : i32
      %lt3A_180 = arith.cmpi slt, %add3A_178, %lt3A_179 : i32
      %convert_element_type3A = arith.extui %lt3A_180 : i1 to i32
      %cond3A = arith.constant 0 : i32
      %cond3A_181 = arith.cmpi ne, %convert_element_type3A, %cond3A : i32
      scf.if %cond3A_181 {
        %add3A_461 = arith.constant 1 : i32
        %add3A_462 = arith.addi %scan3A_166, %add3A_461 : i32
        %add3A_463 = arith.constant 1 : i32
        %add3A_464 = arith.addi %scan3A_166, %add3A_463 : i32
        %jit3A_465 = arith.constant 2 : i32
        %eq3A_466 = arith.constant 0 : i32
        %eq3A_467 = arith.cmpi eq, %jit3A_465, %eq3A_466 : i32
        %jit3A_468 = arith.constant 1 : i32
        %select_n3A_469 = arith.select %eq3A_467, %jit3A_468, %jit3A_465 : i32
        %rem3A_470 = arith.remsi %add3A_464, %select_n3A_469 : i32
        %ne3A_471 = arith.constant 0 : i32
        %ne3A_472 = arith.cmpi ne, %rem3A_470, %ne3A_471 : i32
        %lt3A_473 = arith.constant 0 : i32
        %lt3A_474 = arith.cmpi slt, %rem3A_470, %lt3A_473 : i32
        %lt3A_475 = arith.constant 0 : i32
        %lt3A_476 = arith.cmpi slt, %select_n3A_469, %lt3A_475 : i32
        %ne3A_477 = arith.xori %lt3A_474, %lt3A_476 : i1
        %and3A_478 = arith.andi %ne3A_477, %ne3A_472 : i1
        %add3A_479 = arith.addi %rem3A_470, %select_n3A_469 : i32
        %select_n3A_480 = arith.select %and3A_478, %add3A_479, %rem3A_470 : i32
        %add3A_481 = arith.addi %mul3A_2, %add3A_462 : i32
        %dma_start3A_482 = arith.constant 0 : i32
        %dma_start3A_483 = tpu.memref_slice %arg6[%select_n3A_480, %dma_start3A_482] : memref<2x2048xi32, #tpu.memory_space<vmem>> -> memref<1x2048xi32, #tpu.memory_space<vmem>>
        %dma_start3A_484 = tpu.memref_squeeze %dma_start3A_483 : memref<1x2048xi32, #tpu.memory_space<vmem>> -> memref<2048xi32, #tpu.memory_space<vmem>>
        %dma_start3A_485 = arith.constant 0 : i32
        %dma_start3A_486 = tpu.memref_slice %arg2[%add3A_481, %dma_start3A_485] : memref<2048x2048xi32, #tpu.memory_space<hbm>> -> memref<1x2048xi32, #tpu.memory_space<hbm>>
        %dma_start3A_487 = tpu.memref_squeeze %dma_start3A_486 : memref<1x2048xi32, #tpu.memory_space<hbm>> -> memref<2048xi32, #tpu.memory_space<hbm>>
        %dma_start3A_488 = arith.constant 0 : i32
        %dma_start3A_489 = tpu.memref_slice %arg6[%select_n3A_480, %dma_start3A_488] : memref<2x2048xi32, #tpu.memory_space<vmem>> -> memref<1x2048xi32, #tpu.memory_space<vmem>>
        %dma_start3A_490 = tpu.memref_squeeze %dma_start3A_489 : memref<1x2048xi32, #tpu.memory_space<vmem>> -> memref<2048xi32, #tpu.memory_space<vmem>>
        %dma_start3A_491 = arith.constant 0 : i32
        %dma_start3A_492 = tpu.memref_slice %arg2[%add3A_481, %dma_start3A_491] : memref<2048x2048xi32, #tpu.memory_space<hbm>> -> memref<1x2048xi32, #tpu.memory_space<hbm>>
        %dma_start3A_493 = tpu.memref_squeeze %dma_start3A_492 : memref<1x2048xi32, #tpu.memory_space<hbm>> -> memref<2048xi32, #tpu.memory_space<hbm>>
        tpu.enqueue_dma source(%dma_start3A_493 : memref<2048xi32, #tpu.memory_space<hbm>>) target(%dma_start3A_490 : memref<2048xi32, #tpu.memory_space<vmem>>) target_semaphore(%arg10 : memref<!tpu.dma_semaphore, #tpu.memory_space<semaphore_mem>>)
      } else {
      }
      %add3A_182 = arith.addi %mul3A_2, %scan3A_166 : i32
      %dma_wait3A_183 = arith.constant 0 : i32
      %dma_wait3A_184 = tpu.memref_slice %arg6[%select_n3A_176, %dma_wait3A_183] : memref<2x2048xi32, #tpu.memory_space<vmem>> -> memref<1x2048xi32, #tpu.memory_space<vmem>>
      %dma_wait3A_185 = tpu.memref_squeeze %dma_wait3A_184 : memref<1x2048xi32, #tpu.memory_space<vmem>> -> memref<2048xi32, #tpu.memory_space<vmem>>
      %dma_wait3A_186 = arith.constant 0 : i32
      %dma_wait3A_187 = tpu.memref_slice %arg2[%add3A_182, %dma_wait3A_186] : memref<2048x2048xi32, #tpu.memory_space<hbm>> -> memref<1x2048xi32, #tpu.memory_space<hbm>>
      %dma_wait3A_188 = tpu.memref_squeeze %dma_wait3A_187 : memref<1x2048xi32, #tpu.memory_space<hbm>> -> memref<2048xi32, #tpu.memory_space<hbm>>
      %dma_wait3A_189 = arith.constant 0 : i32
      %dma_wait3A_190 = tpu.memref_slice %arg6[%select_n3A_176, %dma_wait3A_189] : memref<2x2048xi32, #tpu.memory_space<vmem>> -> memref<1x2048xi32, #tpu.memory_space<vmem>>
      %dma_wait3A_191 = tpu.memref_squeeze %dma_wait3A_190 : memref<1x2048xi32, #tpu.memory_space<vmem>> -> memref<2048xi32, #tpu.memory_space<vmem>>
      %dma_wait3A_192 = arith.constant 0 : i32
      %dma_wait3A_193 = tpu.memref_slice %arg2[%add3A_182, %dma_wait3A_192] : memref<2048x2048xi32, #tpu.memory_space<hbm>> -> memref<1x2048xi32, #tpu.memory_space<hbm>>
      %dma_wait3A_194 = tpu.memref_squeeze %dma_wait3A_193 : memref<1x2048xi32, #tpu.memory_space<hbm>> -> memref<2048xi32, #tpu.memory_space<hbm>>
      tpu.wait_dma2 semaphore(%arg10 : memref<!tpu.dma_semaphore, #tpu.memory_space<semaphore_mem>>) src(%dma_wait3A_194 : memref<2048xi32, #tpu.memory_space<hbm>>) dst(%dma_wait3A_191 : memref<2048xi32, #tpu.memory_space<vmem>>)
      %ge3A = arith.constant 2 : i32
      %ge3A_195 = arith.cmpi sge, %scan3A_166, %ge3A : i32
      %convert_element_type3A_196 = arith.extui %ge3A_195 : i1 to i32
      %cond3A_197 = arith.constant 0 : i32
      %cond3A_198 = arith.cmpi ne, %convert_element_type3A_196, %cond3A_197 : i32
      scf.if %cond3A_198 {
        %sub3A_461 = arith.constant 2 : i32
        %sub3A_462 = arith.subi %scan3A_166, %sub3A_461 : i32
        %add3A_463 = arith.addi %mul3A_2, %sub3A_462 : i32
        %dma_wait3A_464 = arith.constant 0 : i32
        %dma_wait3A_465 = arith.constant 0 : i32
        %dma_wait3A_466 = arith.constant 0 : i32
        %dma_wait3A_467 = tpu.memref_slice %arg7[%select_n3A_176, %dma_wait3A_464, %dma_wait3A_466] : memref<2x4x2048xf32, #tpu.memory_space<vmem>> -> memref<1x1x2048xf32, #tpu.memory_space<vmem>>
        %dma_wait3A_468 = tpu.memref_squeeze %dma_wait3A_467 : memref<1x1x2048xf32, #tpu.memory_space<vmem>> -> memref<2048xf32, #tpu.memory_space<vmem>>
        %dma_wait3A_469 = arith.constant 0 : i32
        %dma_wait3A_470 = tpu.memref_slice %arg5[%dma_wait3A_465, %add3A_463, %dma_wait3A_469] : memref<4x2048x2048xf32, #tpu.memory_space<hbm>> -> memref<1x1x2048xf32, #tpu.memory_space<hbm>>
        %dma_wait3A_471 = tpu.memref_squeeze %dma_wait3A_470 : memref<1x1x2048xf32, #tpu.memory_space<hbm>> -> memref<2048xf32, #tpu.memory_space<hbm>>
        %dma_wait3A_472 = arith.constant 0 : i32
        %dma_wait3A_473 = tpu.memref_slice %arg5[%dma_wait3A_465, %add3A_463, %dma_wait3A_472] : memref<4x2048x2048xf32, #tpu.memory_space<hbm>> -> memref<1x1x2048xf32, #tpu.memory_space<hbm>>
        %dma_wait3A_474 = tpu.memref_squeeze %dma_wait3A_473 : memref<1x1x2048xf32, #tpu.memory_space<hbm>> -> memref<2048xf32, #tpu.memory_space<hbm>>
        %dma_wait3A_475 = arith.constant 0 : i32
        %dma_wait3A_476 = tpu.memref_slice %arg7[%select_n3A_176, %dma_wait3A_464, %dma_wait3A_475] : memref<2x4x2048xf32, #tpu.memory_space<vmem>> -> memref<1x1x2048xf32, #tpu.memory_space<vmem>>
        %dma_wait3A_477 = tpu.memref_squeeze %dma_wait3A_476 : memref<1x1x2048xf32, #tpu.memory_space<vmem>> -> memref<2048xf32, #tpu.memory_space<vmem>>
        tpu.wait_dma2 semaphore(%arg11 : memref<!tpu.dma_semaphore, #tpu.memory_space<semaphore_mem>>) src(%dma_wait3A_477 : memref<2048xf32, #tpu.memory_space<vmem>>) dst(%dma_wait3A_474 : memref<2048xf32, #tpu.memory_space<hbm>>)
        %sub3A_478 = arith.constant 2 : i32
        %sub3A_479 = arith.subi %scan3A_166, %sub3A_478 : i32
        %add3A_480 = arith.addi %mul3A_2, %sub3A_479 : i32
        %dma_wait3A_481 = arith.constant 1 : i32
        %dma_wait3A_482 = arith.constant 1 : i32
        %dma_wait3A_483 = arith.constant 0 : i32
        %dma_wait3A_484 = tpu.memref_slice %arg7[%select_n3A_176, %dma_wait3A_481, %dma_wait3A_483] : memref<2x4x2048xf32, #tpu.memory_space<vmem>> -> memref<1x1x2048xf32, #tpu.memory_space<vmem>>
        %dma_wait3A_485 = tpu.memref_squeeze %dma_wait3A_484 : memref<1x1x2048xf32, #tpu.memory_space<vmem>> -> memref<2048xf32, #tpu.memory_space<vmem>>
        %dma_wait3A_486 = arith.constant 0 : i32
        %dma_wait3A_487 = tpu.memref_slice %arg5[%dma_wait3A_482, %add3A_480, %dma_wait3A_486] : memref<4x2048x2048xf32, #tpu.memory_space<hbm>> -> memref<1x1x2048xf32, #tpu.memory_space<hbm>>
        %dma_wait3A_488 = tpu.memref_squeeze %dma_wait3A_487 : memref<1x1x2048xf32, #tpu.memory_space<hbm>> -> memref<2048xf32, #tpu.memory_space<hbm>>
        %dma_wait3A_489 = arith.constant 0 : i32
        %dma_wait3A_490 = tpu.memref_slice %arg5[%dma_wait3A_482, %add3A_480, %dma_wait3A_489] : memref<4x2048x2048xf32, #tpu.memory_space<hbm>> -> memref<1x1x2048xf32, #tpu.memory_space<hbm>>
        %dma_wait3A_491 = tpu.memref_squeeze %dma_wait3A_490 : memref<1x1x2048xf32, #tpu.memory_space<hbm>> -> memref<2048xf32, #tpu.memory_space<hbm>>
        %dma_wait3A_492 = arith.constant 0 : i32
        %dma_wait3A_493 = tpu.memref_slice %arg7[%select_n3A_176, %dma_wait3A_481, %dma_wait3A_492] : memref<2x4x2048xf32, #tpu.memory_space<vmem>> -> memref<1x1x2048xf32, #tpu.memory_space<vmem>>
        %dma_wait3A_494 = tpu.memref_squeeze %dma_wait3A_493 : memref<1x1x2048xf32, #tpu.memory_space<vmem>> -> memref<2048xf32, #tpu.memory_space<vmem>>
        tpu.wait_dma2 semaphore(%arg11 : memref<!tpu.dma_semaphore, #tpu.memory_space<semaphore_mem>>) src(%dma_wait3A_494 : memref<2048xf32, #tpu.memory_space<vmem>>) dst(%dma_wait3A_491 : memref<2048xf32, #tpu.memory_space<hbm>>)
        %sub3A_495 = arith.constant 2 : i32
        %sub3A_496 = arith.subi %scan3A_166, %sub3A_495 : i32
        %add3A_497 = arith.addi %mul3A_2, %sub3A_496 : i32
        %dma_wait3A_498 = arith.constant 2 : i32
        %dma_wait3A_499 = arith.constant 2 : i32
        %dma_wait3A_500 = arith.constant 0 : i32
        %dma_wait3A_501 = tpu.memref_slice %arg7[%select_n3A_176, %dma_wait3A_498, %dma_wait3A_500] : memref<2x4x2048xf32, #tpu.memory_space<vmem>> -> memref<1x1x2048xf32, #tpu.memory_space<vmem>>
        %dma_wait3A_502 = tpu.memref_squeeze %dma_wait3A_501 : memref<1x1x2048xf32, #tpu.memory_space<vmem>> -> memref<2048xf32, #tpu.memory_space<vmem>>
        %dma_wait3A_503 = arith.constant 0 : i32
        %dma_wait3A_504 = tpu.memref_slice %arg5[%dma_wait3A_499, %add3A_497, %dma_wait3A_503] : memref<4x2048x2048xf32, #tpu.memory_space<hbm>> -> memref<1x1x2048xf32, #tpu.memory_space<hbm>>
        %dma_wait3A_505 = tpu.memref_squeeze %dma_wait3A_504 : memref<1x1x2048xf32, #tpu.memory_space<hbm>> -> memref<2048xf32, #tpu.memory_space<hbm>>
        %dma_wait3A_506 = arith.constant 0 : i32
        %dma_wait3A_507 = tpu.memref_slice %arg5[%dma_wait3A_499, %add3A_497, %dma_wait3A_506] : memref<4x2048x2048xf32, #tpu.memory_space<hbm>> -> memref<1x1x2048xf32, #tpu.memory_space<hbm>>
        %dma_wait3A_508 = tpu.memref_squeeze %dma_wait3A_507 : memref<1x1x2048xf32, #tpu.memory_space<hbm>> -> memref<2048xf32, #tpu.memory_space<hbm>>
        %dma_wait3A_509 = arith.constant 0 : i32
        %dma_wait3A_510 = tpu.memref_slice %arg7[%select_n3A_176, %dma_wait3A_498, %dma_wait3A_509] : memref<2x4x2048xf32, #tpu.memory_space<vmem>> -> memref<1x1x2048xf32, #tpu.memory_space<vmem>>
        %dma_wait3A_511 = tpu.memref_squeeze %dma_wait3A_510 : memref<1x1x2048xf32, #tpu.memory_space<vmem>> -> memref<2048xf32, #tpu.memory_space<vmem>>
        tpu.wait_dma2 semaphore(%arg11 : memref<!tpu.dma_semaphore, #tpu.memory_space<semaphore_mem>>) src(%dma_wait3A_511 : memref<2048xf32, #tpu.memory_space<vmem>>) dst(%dma_wait3A_508 : memref<2048xf32, #tpu.memory_space<hbm>>)
        %sub3A_512 = arith.constant 2 : i32
        %sub3A_513 = arith.subi %scan3A_166, %sub3A_512 : i32
        %add3A_514 = arith.addi %mul3A_2, %sub3A_513 : i32
        %dma_wait3A_515 = arith.constant 3 : i32
        %dma_wait3A_516 = arith.constant 3 : i32
        %dma_wait3A_517 = arith.constant 0 : i32
        %dma_wait3A_518 = tpu.memref_slice %arg7[%select_n3A_176, %dma_wait3A_515, %dma_wait3A_517] : memref<2x4x2048xf32, #tpu.memory_space<vmem>> -> memref<1x1x2048xf32, #tpu.memory_space<vmem>>
        %dma_wait3A_519 = tpu.memref_squeeze %dma_wait3A_518 : memref<1x1x2048xf32, #tpu.memory_space<vmem>> -> memref<2048xf32, #tpu.memory_space<vmem>>
        %dma_wait3A_520 = arith.constant 0 : i32
        %dma_wait3A_521 = tpu.memref_slice %arg5[%dma_wait3A_516, %add3A_514, %dma_wait3A_520] : memref<4x2048x2048xf32, #tpu.memory_space<hbm>> -> memref<1x1x2048xf32, #tpu.memory_space<hbm>>
        %dma_wait3A_522 = tpu.memref_squeeze %dma_wait3A_521 : memref<1x1x2048xf32, #tpu.memory_space<hbm>> -> memref<2048xf32, #tpu.memory_space<hbm>>
        %dma_wait3A_523 = arith.constant 0 : i32
        %dma_wait3A_524 = tpu.memref_slice %arg5[%dma_wait3A_516, %add3A_514, %dma_wait3A_523] : memref<4x2048x2048xf32, #tpu.memory_space<hbm>> -> memref<1x1x2048xf32, #tpu.memory_space<hbm>>
        %dma_wait3A_525 = tpu.memref_squeeze %dma_wait3A_524 : memref<1x1x2048xf32, #tpu.memory_space<hbm>> -> memref<2048xf32, #tpu.memory_space<hbm>>
        %dma_wait3A_526 = arith.constant 0 : i32
        %dma_wait3A_527 = tpu.memref_slice %arg7[%select_n3A_176, %dma_wait3A_515, %dma_wait3A_526] : memref<2x4x2048xf32, #tpu.memory_space<vmem>> -> memref<1x1x2048xf32, #tpu.memory_space<vmem>>
        %dma_wait3A_528 = tpu.memref_squeeze %dma_wait3A_527 : memref<1x1x2048xf32, #tpu.memory_space<vmem>> -> memref<2048xf32, #tpu.memory_space<vmem>>
        tpu.wait_dma2 semaphore(%arg11 : memref<!tpu.dma_semaphore, #tpu.memory_space<semaphore_mem>>) src(%dma_wait3A_528 : memref<2048xf32, #tpu.memory_space<vmem>>) dst(%dma_wait3A_525 : memref<2048xf32, #tpu.memory_space<hbm>>)
      } else {
      }
      %add3A_199 = arith.constant 0 : i32
      %add3A_200 = arith.addi %add3A_199, %scan3A_166 : i32
      %jit3A_201 = arith.constant 16 : i32
      %div3A = arith.divsi %add3A_200, %jit3A_201 : i32
      %sign3A = arith.constant 0 : i32
      %sign3A_202 = arith.cmpi sgt, %add3A_200, %sign3A : i32
      %sign3A_203 = arith.extui %sign3A_202 : i1 to i32
      %sign3A_204 = arith.constant 0 : i32
      %sign3A_205 = arith.cmpi slt, %add3A_200, %sign3A_204 : i32
      %sign3A_206 = arith.extui %sign3A_205 : i1 to i32
      %sign3A_207 = arith.subi %sign3A_203, %sign3A_206 : i32
      %sign3A_208 = arith.constant 0 : i32
      %sign3A_209 = arith.cmpi sgt, %jit3A_201, %sign3A_208 : i32
      %sign3A_210 = arith.extui %sign3A_209 : i1 to i32
      %sign3A_211 = arith.constant 0 : i32
      %sign3A_212 = arith.cmpi slt, %jit3A_201, %sign3A_211 : i32
      %sign3A_213 = arith.extui %sign3A_212 : i1 to i32
      %sign3A_214 = arith.subi %sign3A_210, %sign3A_213 : i32
      %ne3A_215 = arith.cmpi ne, %sign3A_207, %sign3A_214 : i32
      %rem3A_216 = arith.remsi %add3A_200, %jit3A_201 : i32
      %ne3A_217 = arith.constant 0 : i32
      %ne3A_218 = arith.cmpi ne, %rem3A_216, %ne3A_217 : i32
      %and3A_219 = arith.andi %ne3A_215, %ne3A_218 : i1
      %sub3A = arith.constant 1 : i32
      %sub3A_220 = arith.subi %div3A, %sub3A : i32
      %select_n3A_221 = arith.select %and3A_219, %sub3A_220, %div3A : i32
      %mul3A_222 = arith.constant 16 : i32
      %mul3A_223 = arith.muli %select_n3A_221, %mul3A_222 : i32
      %get3A = arith.index_cast %mul3A_223 : i32 to index
      %get3A_224 = tpu.vector_load %arg9[%get3A] {strides = array<i32>} : memref<256xi32, #tpu.memory_space<vmem>>, vector<16xi32>,
      %get3A_225 = vector.shape_cast %get3A_224 : vector<16xi32> to vector<16xi32>
      %jit3A_226 = arith.constant 16 : i32
      %eq3A_227 = arith.constant 0 : i32
      %eq3A_228 = arith.cmpi eq, %jit3A_226, %eq3A_227 : i32
      %jit3A_229 = arith.constant 1 : i32
      %select_n3A_230 = arith.select %eq3A_228, %jit3A_229, %jit3A_226 : i32
      %rem3A_231 = arith.remsi %add3A_200, %select_n3A_230 : i32
      %ne3A_232 = arith.constant 0 : i32
      %ne3A_233 = arith.cmpi ne, %rem3A_231, %ne3A_232 : i32
      %lt3A_234 = arith.constant 0 : i32
      %lt3A_235 = arith.cmpi slt, %rem3A_231, %lt3A_234 : i32
      %lt3A_236 = arith.constant 0 : i32
      %lt3A_237 = arith.cmpi slt, %select_n3A_230, %lt3A_236 : i32
      %ne3A_238 = arith.xori %lt3A_235, %lt3A_237 : i1
      %and3A_239 = arith.andi %ne3A_238, %ne3A_233 : i1
      %add3A_240 = arith.addi %rem3A_231, %select_n3A_230 : i32
      %select_n3A_241 = arith.select %and3A_239, %add3A_240, %rem3A_231 : i32
      %broadcast_in_dim3A = vector.broadcast %select_n3A_241 : i32 to vector<16x1xi32>
      %gather3A = vector.shape_cast %broadcast_in_dim3A : vector<16x1xi32> to vector<16xi32>
      %gather3A_242 = tpu.dynamic_gather %get3A_225[%gather3A] in [0] : vector<16xi32>, vector<16xi32> -> vector<16xi32>
      %add3A_243 = arith.constant 64 : i32
      %add3A_244 = arith.addi %add3A_243, %scan3A_166 : i32
      %jit3A_245 = arith.constant 16 : i32
      %div3A_246 = arith.divsi %add3A_244, %jit3A_245 : i32
      %sign3A_247 = arith.constant 0 : i32
      %sign3A_248 = arith.cmpi sgt, %add3A_244, %sign3A_247 : i32
      %sign3A_249 = arith.extui %sign3A_248 : i1 to i32
      %sign3A_250 = arith.constant 0 : i32
      %sign3A_251 = arith.cmpi slt, %add3A_244, %sign3A_250 : i32
      %sign3A_252 = arith.extui %sign3A_251 : i1 to i32
      %sign3A_253 = arith.subi %sign3A_249, %sign3A_252 : i32
      %sign3A_254 = arith.constant 0 : i32
      %sign3A_255 = arith.cmpi sgt, %jit3A_245, %sign3A_254 : i32
      %sign3A_256 = arith.extui %sign3A_255 : i1 to i32
      %sign3A_257 = arith.constant 0 : i32
      %sign3A_258 = arith.cmpi slt, %jit3A_245, %sign3A_257 : i32
      %sign3A_259 = arith.extui %sign3A_258 : i1 to i32
      %sign3A_260 = arith.subi %sign3A_256, %sign3A_259 : i32
      %ne3A_261 = arith.cmpi ne, %sign3A_253, %sign3A_260 : i32
      %rem3A_262 = arith.remsi %add3A_244, %jit3A_245 : i32
      %ne3A_263 = arith.constant 0 : i32
      %ne3A_264 = arith.cmpi ne, %rem3A_262, %ne3A_263 : i32
      %and3A_265 = arith.andi %ne3A_261, %ne3A_264 : i1
      %sub3A_266 = arith.constant 1 : i32
      %sub3A_267 = arith.subi %div3A_246, %sub3A_266 : i32
      %select_n3A_268 = arith.select %and3A_265, %sub3A_267, %div3A_246 : i32
      %mul3A_269 = arith.constant 16 : i32
      %mul3A_270 = arith.muli %select_n3A_268, %mul3A_269 : i32
      %get3A_271 = arith.index_cast %mul3A_270 : i32 to index
      %get3A_272 = tpu.vector_load %arg9[%get3A_271] {strides = array<i32>} : memref<256xi32, #tpu.memory_space<vmem>>, vector<16xi32>,
      %get3A_273 = vector.shape_cast %get3A_272 : vector<16xi32> to vector<16xi32>
      %jit3A_274 = arith.constant 16 : i32
      %eq3A_275 = arith.constant 0 : i32
      %eq3A_276 = arith.cmpi eq, %jit3A_274, %eq3A_275 : i32
      %jit3A_277 = arith.constant 1 : i32
      %select_n3A_278 = arith.select %eq3A_276, %jit3A_277, %jit3A_274 : i32
      %rem3A_279 = arith.remsi %add3A_244, %select_n3A_278 : i32
      %ne3A_280 = arith.constant 0 : i32
      %ne3A_281 = arith.cmpi ne, %rem3A_279, %ne3A_280 : i32
      %lt3A_282 = arith.constant 0 : i32
      %lt3A_283 = arith.cmpi slt, %rem3A_279, %lt3A_282 : i32
      %lt3A_284 = arith.constant 0 : i32
      %lt3A_285 = arith.cmpi slt, %select_n3A_278, %lt3A_284 : i32
      %ne3A_286 = arith.xori %lt3A_283, %lt3A_285 : i1
      %and3A_287 = arith.andi %ne3A_286, %ne3A_281 : i1
      %add3A_288 = arith.addi %rem3A_279, %select_n3A_278 : i32
      %select_n3A_289 = arith.select %and3A_287, %add3A_288, %rem3A_279 : i32
      %broadcast_in_dim3A_290 = vector.broadcast %select_n3A_289 : i32 to vector<16x1xi32>
      %gather3A_291 = vector.shape_cast %broadcast_in_dim3A_290 : vector<16x1xi32> to vector<16xi32>
      %gather3A_292 = tpu.dynamic_gather %get3A_273[%gather3A_291] in [0] : vector<16xi32>, vector<16xi32> -> vector<16xi32>
      %add3A_293 = arith.constant 128 : i32
      %add3A_294 = arith.addi %add3A_293, %scan3A_166 : i32
      %jit3A_295 = arith.constant 16 : i32
      %div3A_296 = arith.divsi %add3A_294, %jit3A_295 : i32
      %sign3A_297 = arith.constant 0 : i32
      %sign3A_298 = arith.cmpi sgt, %add3A_294, %sign3A_297 : i32
      %sign3A_299 = arith.extui %sign3A_298 : i1 to i32
      %sign3A_300 = arith.constant 0 : i32
      %sign3A_301 = arith.cmpi slt, %add3A_294, %sign3A_300 : i32
      %sign3A_302 = arith.extui %sign3A_301 : i1 to i32
      %sign3A_303 = arith.subi %sign3A_299, %sign3A_302 : i32
      %sign3A_304 = arith.constant 0 : i32
      %sign3A_305 = arith.cmpi sgt, %jit3A_295, %sign3A_304 : i32
      %sign3A_306 = arith.extui %sign3A_305 : i1 to i32
      %sign3A_307 = arith.constant 0 : i32
      %sign3A_308 = arith.cmpi slt, %jit3A_295, %sign3A_307 : i32
      %sign3A_309 = arith.extui %sign3A_308 : i1 to i32
      %sign3A_310 = arith.subi %sign3A_306, %sign3A_309 : i32
      %ne3A_311 = arith.cmpi ne, %sign3A_303, %sign3A_310 : i32
      %rem3A_312 = arith.remsi %add3A_294, %jit3A_295 : i32
      %ne3A_313 = arith.constant 0 : i32
      %ne3A_314 = arith.cmpi ne, %rem3A_312, %ne3A_313 : i32
      %and3A_315 = arith.andi %ne3A_311, %ne3A_314 : i1
      %sub3A_316 = arith.constant 1 : i32
      %sub3A_317 = arith.subi %div3A_296, %sub3A_316 : i32
      %select_n3A_318 = arith.select %and3A_315, %sub3A_317, %div3A_296 : i32
      %mul3A_319 = arith.constant 16 : i32
      %mul3A_320 = arith.muli %select_n3A_318, %mul3A_319 : i32
      %get3A_321 = arith.index_cast %mul3A_320 : i32 to index
      %get3A_322 = tpu.vector_load %arg9[%get3A_321] {strides = array<i32>} : memref<256xi32, #tpu.memory_space<vmem>>, vector<16xi32>,
      %get3A_323 = vector.shape_cast %get3A_322 : vector<16xi32> to vector<16xi32>
      %jit3A_324 = arith.constant 16 : i32
      %eq3A_325 = arith.constant 0 : i32
      %eq3A_326 = arith.cmpi eq, %jit3A_324, %eq3A_325 : i32
      %jit3A_327 = arith.constant 1 : i32
      %select_n3A_328 = arith.select %eq3A_326, %jit3A_327, %jit3A_324 : i32
      %rem3A_329 = arith.remsi %add3A_294, %select_n3A_328 : i32
      %ne3A_330 = arith.constant 0 : i32
      %ne3A_331 = arith.cmpi ne, %rem3A_329, %ne3A_330 : i32
      %lt3A_332 = arith.constant 0 : i32
      %lt3A_333 = arith.cmpi slt, %rem3A_329, %lt3A_332 : i32
      %lt3A_334 = arith.constant 0 : i32
      %lt3A_335 = arith.cmpi slt, %select_n3A_328, %lt3A_334 : i32
      %ne3A_336 = arith.xori %lt3A_333, %lt3A_335 : i1
      %and3A_337 = arith.andi %ne3A_336, %ne3A_331 : i1
      %add3A_338 = arith.addi %rem3A_329, %select_n3A_328 : i32
      %select_n3A_339 = arith.select %and3A_337, %add3A_338, %rem3A_329 : i32
      %broadcast_in_dim3A_340 = vector.broadcast %select_n3A_339 : i32 to vector<16x1xi32>
      %gather3A_341 = vector.shape_cast %broadcast_in_dim3A_340 : vector<16x1xi32> to vector<16xi32>
      %gather3A_342 = tpu.dynamic_gather %get3A_323[%gather3A_341] in [0] : vector<16xi32>, vector<16xi32> -> vector<16xi32>
      %add3A_343 = arith.constant 192 : i32
      %add3A_344 = arith.addi %add3A_343, %scan3A_166 : i32
      %jit3A_345 = arith.constant 16 : i32
      %div3A_346 = arith.divsi %add3A_344, %jit3A_345 : i32
      %sign3A_347 = arith.constant 0 : i32
      %sign3A_348 = arith.cmpi sgt, %add3A_344, %sign3A_347 : i32
      %sign3A_349 = arith.extui %sign3A_348 : i1 to i32
      %sign3A_350 = arith.constant 0 : i32
      %sign3A_351 = arith.cmpi slt, %add3A_344, %sign3A_350 : i32
      %sign3A_352 = arith.extui %sign3A_351 : i1 to i32
      %sign3A_353 = arith.subi %sign3A_349, %sign3A_352 : i32
      %sign3A_354 = arith.constant 0 : i32
      %sign3A_355 = arith.cmpi sgt, %jit3A_345, %sign3A_354 : i32
      %sign3A_356 = arith.extui %sign3A_355 : i1 to i32
      %sign3A_357 = arith.constant 0 : i32
      %sign3A_358 = arith.cmpi slt, %jit3A_345, %sign3A_357 : i32
      %sign3A_359 = arith.extui %sign3A_358 : i1 to i32
      %sign3A_360 = arith.subi %sign3A_356, %sign3A_359 : i32
      %ne3A_361 = arith.cmpi ne, %sign3A_353, %sign3A_360 : i32
      %rem3A_362 = arith.remsi %add3A_344, %jit3A_345 : i32
      %ne3A_363 = arith.constant 0 : i32
      %ne3A_364 = arith.cmpi ne, %rem3A_362, %ne3A_363 : i32
      %and3A_365 = arith.andi %ne3A_361, %ne3A_364 : i1
      %sub3A_366 = arith.constant 1 : i32
      %sub3A_367 = arith.subi %div3A_346, %sub3A_366 : i32
      %select_n3A_368 = arith.select %and3A_365, %sub3A_367, %div3A_346 : i32
      %mul3A_369 = arith.constant 16 : i32
      %mul3A_370 = arith.muli %select_n3A_368, %mul3A_369 : i32
      %get3A_371 = arith.index_cast %mul3A_370 : i32 to index
      %get3A_372 = tpu.vector_load %arg9[%get3A_371] {strides = array<i32>} : memref<256xi32, #tpu.memory_space<vmem>>, vector<16xi32>,
      %get3A_373 = vector.shape_cast %get3A_372 : vector<16xi32> to vector<16xi32>
      %jit3A_374 = arith.constant 16 : i32
      %eq3A_375 = arith.constant 0 : i32
      %eq3A_376 = arith.cmpi eq, %jit3A_374, %eq3A_375 : i32
      %jit3A_377 = arith.constant 1 : i32
      %select_n3A_378 = arith.select %eq3A_376, %jit3A_377, %jit3A_374 : i32
      %rem3A_379 = arith.remsi %add3A_344, %select_n3A_378 : i32
      %ne3A_380 = arith.constant 0 : i32
      %ne3A_381 = arith.cmpi ne, %rem3A_379, %ne3A_380 : i32
      %lt3A_382 = arith.constant 0 : i32
      %lt3A_383 = arith.cmpi slt, %rem3A_379, %lt3A_382 : i32
      %lt3A_384 = arith.constant 0 : i32
      %lt3A_385 = arith.cmpi slt, %select_n3A_378, %lt3A_384 : i32
      %ne3A_386 = arith.xori %lt3A_383, %lt3A_385 : i1
      %and3A_387 = arith.andi %ne3A_386, %ne3A_381 : i1
      %add3A_388 = arith.addi %rem3A_379, %select_n3A_378 : i32
      %select_n3A_389 = arith.select %and3A_387, %add3A_388, %rem3A_379 : i32
      %broadcast_in_dim3A_390 = vector.broadcast %select_n3A_389 : i32 to vector<16x1xi32>
      %gather3A_391 = vector.shape_cast %broadcast_in_dim3A_390 : vector<16x1xi32> to vector<16xi32>
      %gather3A_392 = tpu.dynamic_gather %get3A_373[%gather3A_391] in [0] : vector<16xi32>, vector<16xi32> -> vector<16xi32>
      %scan3A_393 = arith.constant 0 : i32
      %scan3A_394 = arith.constant 0 : i32
      %scan3A_395 = arith.constant 128 : i32
      %scan3A_396 = arith.addi %scan3A_394, %scan3A_395 : i32
      %scan3A_397 = arith.constant 4 : i32
      %scan3A_398 = scf.for %scan3A_461 = %scan3A_394 to %scan3A_396 step %scan3A_397 iter_args(%scan3A_462 = %scan3A_393) -> (i32)  : i32 {
        %mul3A_463 = arith.constant 16 : i32
        %mul3A_464 = arith.muli %scan3A_461, %mul3A_463 : i32
        %get3A_465 = arith.index_cast %select_n3A_176 : i32 to index
        %get3A_466 = arith.index_cast %mul3A_464 : i32 to index
        %get3A_467 = tpu.vector_load %arg6[%get3A_465, %get3A_466] {strides = array<i32>} : memref<2x2048xi32, #tpu.memory_space<vmem>>, vector<1x16xi32>,
        %get3A_468 = vector.shape_cast %get3A_467 : vector<1x16xi32> to vector<16xi32>
        %get3A_469 = arith.constant 0 : i32
        %get3A_470 = arith.index_cast %get3A_469 : i32 to index
        %get3A_471 = arith.index_cast %mul3A_464 : i32 to index
        %get3A_472 = tpu.vector_load %arg8[%get3A_470, %get3A_471] {strides = array<i32>} : memref<4x2048xi32, #tpu.memory_space<vmem>>, vector<1x16xi32>,
        %get3A_473 = vector.shape_cast %get3A_472 : vector<1x16xi32> to vector<16xi32>
        %and3A_474 = arith.andi %gather3A_242, %get3A_473 : vector<16xi32>
        %shift_right_arithmetic3A = arith.shrsi %and3A_474, %get3A_468 : vector<16xi32>
        %and3A_475 = arith.constant 1 : i32
        %and3A_476 = vector.broadcast %and3A_475 : i32 to vector<16xi32>
        %and3A_477 = arith.andi %shift_right_arithmetic3A, %and3A_476 : vector<16xi32>
        %convert_element_type3A_478 = arith.sitofp %and3A_477 : vector<16xi32> to vector<16xf32>
        %swap3A = arith.constant 0 : i32
        %swap3A_479 = arith.index_cast %select_n3A_176 : i32 to index
        %swap3A_480 = arith.index_cast %swap3A : i32 to index
        %swap3A_481 = arith.index_cast %mul3A_464 : i32 to index
        %swap3A_482 = tpu.vector_load %arg7[%swap3A_479, %swap3A_480, %swap3A_481] {strides = array<i32>} : memref<2x4x2048xf32, #tpu.memory_space<vmem>>, vector<1x1x16xf32>,
        %swap3A_483 = vector.shape_cast %swap3A_482 : vector<1x1x16xf32> to vector<16xf32>
        %swap3A_484 = vector.shape_cast %convert_element_type3A_478 : vector<16xf32> to vector<1x1x16xf32>
        tpu.vector_store %arg7[%swap3A_479, %swap3A_480, %swap3A_481], %swap3A_484 {strides = array<i32>} : memref<2x4x2048xf32, #tpu.memory_space<vmem>>, vector<1x1x16xf32>,
        %get3A_485 = arith.constant 1 : i32
        %get3A_486 = arith.index_cast %get3A_485 : i32 to index
        %get3A_487 = arith.index_cast %mul3A_464 : i32 to index
        %get3A_488 = tpu.vector_load %arg8[%get3A_486, %get3A_487] {strides = array<i32>} : memref<4x2048xi32, #tpu.memory_space<vmem>>, vector<1x16xi32>,
        %get3A_489 = vector.shape_cast %get3A_488 : vector<1x16xi32> to vector<16xi32>
        %and3A_490 = arith.andi %gather3A_292, %get3A_489 : vector<16xi32>
        %shift_right_arithmetic3A_491 = arith.shrsi %and3A_490, %get3A_468 : vector<16xi32>
        %and3A_492 = arith.constant 1 : i32
        %and3A_493 = vector.broadcast %and3A_492 : i32 to vector<16xi32>
        %and3A_494 = arith.andi %shift_right_arithmetic3A_491, %and3A_493 : vector<16xi32>
        %convert_element_type3A_495 = arith.sitofp %and3A_494 : vector<16xi32> to vector<16xf32>
        %swap3A_496 = arith.constant 1 : i32
        %swap3A_497 = arith.index_cast %select_n3A_176 : i32 to index
        %swap3A_498 = arith.index_cast %swap3A_496 : i32 to index
        %swap3A_499 = arith.index_cast %mul3A_464 : i32 to index
        %swap3A_500 = tpu.vector_load %arg7[%swap3A_497, %swap3A_498, %swap3A_499] {strides = array<i32>} : memref<2x4x2048xf32, #tpu.memory_space<vmem>>, vector<1x1x16xf32>,
        %swap3A_501 = vector.shape_cast %swap3A_500 : vector<1x1x16xf32> to vector<16xf32>
        %swap3A_502 = vector.shape_cast %convert_element_type3A_495 : vector<16xf32> to vector<1x1x16xf32>
        tpu.vector_store %arg7[%swap3A_497, %swap3A_498, %swap3A_499], %swap3A_502 {strides = array<i32>} : memref<2x4x2048xf32, #tpu.memory_space<vmem>>, vector<1x1x16xf32>,
        %get3A_503 = arith.constant 2 : i32
        %get3A_504 = arith.index_cast %get3A_503 : i32 to index
        %get3A_505 = arith.index_cast %mul3A_464 : i32 to index
        %get3A_506 = tpu.vector_load %arg8[%get3A_504, %get3A_505] {strides = array<i32>} : memref<4x2048xi32, #tpu.memory_space<vmem>>, vector<1x16xi32>,
        %get3A_507 = vector.shape_cast %get3A_506 : vector<1x16xi32> to vector<16xi32>
        %and3A_508 = arith.andi %gather3A_342, %get3A_507 : vector<16xi32>
        %shift_right_arithmetic3A_509 = arith.shrsi %and3A_508, %get3A_468 : vector<16xi32>
        %and3A_510 = arith.constant 1 : i32
        %and3A_511 = vector.broadcast %and3A_510 : i32 to vector<16xi32>
        %and3A_512 = arith.andi %shift_right_arithmetic3A_509, %and3A_511 : vector<16xi32>
        %convert_element_type3A_513 = arith.sitofp %and3A_512 : vector<16xi32> to vector<16xf32>
        %swap3A_514 = arith.constant 2 : i32
        %swap3A_515 = arith.index_cast %select_n3A_176 : i32 to index
        %swap3A_516 = arith.index_cast %swap3A_514 : i32 to index
        %swap3A_517 = arith.index_cast %mul3A_464 : i32 to index
        %swap3A_518 = tpu.vector_load %arg7[%swap3A_515, %swap3A_516, %swap3A_517] {strides = array<i32>} : memref<2x4x2048xf32, #tpu.memory_space<vmem>>, vector<1x1x16xf32>,
        %swap3A_519 = vector.shape_cast %swap3A_518 : vector<1x1x16xf32> to vector<16xf32>
        %swap3A_520 = vector.shape_cast %convert_element_type3A_513 : vector<16xf32> to vector<1x1x16xf32>
        tpu.vector_store %arg7[%swap3A_515, %swap3A_516, %swap3A_517], %swap3A_520 {strides = array<i32>} : memref<2x4x2048xf32, #tpu.memory_space<vmem>>, vector<1x1x16xf32>,
        %get3A_521 = arith.constant 3 : i32
        %get3A_522 = arith.index_cast %get3A_521 : i32 to index
        %get3A_523 = arith.index_cast %mul3A_464 : i32 to index
        %get3A_524 = tpu.vector_load %arg8[%get3A_522, %get3A_523] {strides = array<i32>} : memref<4x2048xi32, #tpu.memory_space<vmem>>, vector<1x16xi32>,
        %get3A_525 = vector.shape_cast %get3A_524 : vector<1x16xi32> to vector<16xi32>
        %and3A_526 = arith.andi %gather3A_392, %get3A_525 : vector<16xi32>
        %shift_right_arithmetic3A_527 = arith.shrsi %and3A_526, %get3A_468 : vector<16xi32>
        %and3A_528 = arith.constant 1 : i32
        %and3A_529 = vector.broadcast %and3A_528 : i32 to vector<16xi32>
        %and3A_530 = arith.andi %shift_right_arithmetic3A_527, %and3A_529 : vector<16xi32>
        %convert_element_type3A_531 = arith.sitofp %and3A_530 : vector<16xi32> to vector<16xf32>
        %swap3A_532 = arith.constant 3 : i32
        %swap3A_533 = arith.index_cast %select_n3A_176 : i32 to index
        %swap3A_534 = arith.index_cast %swap3A_532 : i32 to index
        %swap3A_535 = arith.index_cast %mul3A_464 : i32 to index
        %swap3A_536 = tpu.vector_load %arg7[%swap3A_533, %swap3A_534, %swap3A_535] {strides = array<i32>} : memref<2x4x2048xf32, #tpu.memory_space<vmem>>, vector<1x1x16xf32>,
        %swap3A_537 = vector.shape_cast %swap3A_536 : vector<1x1x16xf32> to vector<16xf32>
        %swap3A_538 = vector.shape_cast %convert_element_type3A_531 : vector<16xf32> to vector<1x1x16xf32>
        tpu.vector_store %arg7[%swap3A_533, %swap3A_534, %swap3A_535], %swap3A_538 {strides = array<i32>} : memref<2x4x2048xf32, #tpu.memory_space<vmem>>, vector<1x1x16xf32>,
        %scan3A_539 = arith.constant 0 : i32
        %scan3A_540 = arith.constant 1 : i32
        %scan3A_541 = arith.addi %scan3A_461, %scan3A_540 : i32
        %mul3A_542 = arith.constant 16 : i32
        %mul3A_543 = arith.muli %scan3A_541, %mul3A_542 : i32
        %get3A_544 = arith.index_cast %select_n3A_176 : i32 to index
        %get3A_545 = arith.index_cast %mul3A_543 : i32 to index
        %get3A_546 = tpu.vector_load %arg6[%get3A_544, %get3A_545] {strides = array<i32>} : memref<2x2048xi32, #tpu.memory_space<vmem>>, vector<1x16xi32>,
        %get3A_547 = vector.shape_cast %get3A_546 : vector<1x16xi32> to vector<16xi32>
        %get3A_548 = arith.constant 0 : i32
        %get3A_549 = arith.index_cast %get3A_548 : i32 to index
        %get3A_550 = arith.index_cast %mul3A_543 : i32 to index
        %get3A_551 = tpu.vector_load %arg8[%get3A_549, %get3A_550] {strides = array<i32>} : memref<4x2048xi32, #tpu.memory_space<vmem>>, vector<1x16xi32>,
        %get3A_552 = vector.shape_cast %get3A_551 : vector<1x16xi32> to vector<16xi32>
        %and3A_553 = arith.andi %gather3A_242, %get3A_552 : vector<16xi32>
        %shift_right_arithmetic3A_554 = arith.shrsi %and3A_553, %get3A_547 : vector<16xi32>
        %and3A_555 = arith.constant 1 : i32
        %and3A_556 = vector.broadcast %and3A_555 : i32 to vector<16xi32>
        %and3A_557 = arith.andi %shift_right_arithmetic3A_554, %and3A_556 : vector<16xi32>
        %convert_element_type3A_558 = arith.sitofp %and3A_557 : vector<16xi32> to vector<16xf32>
        %swap3A_559 = arith.constant 0 : i32
        %swap3A_560 = arith.index_cast %select_n3A_176 : i32 to index
        %swap3A_561 = arith.index_cast %swap3A_559 : i32 to index
        %swap3A_562 = arith.index_cast %mul3A_543 : i32 to index
        %swap3A_563 = tpu.vector_load %arg7[%swap3A_560, %swap3A_561, %swap3A_562] {strides = array<i32>} : memref<2x4x2048xf32, #tpu.memory_space<vmem>>, vector<1x1x16xf32>,
        %swap3A_564 = vector.shape_cast %swap3A_563 : vector<1x1x16xf32> to vector<16xf32>
        %swap3A_565 = vector.shape_cast %convert_element_type3A_558 : vector<16xf32> to vector<1x1x16xf32>
        tpu.vector_store %arg7[%swap3A_560, %swap3A_561, %swap3A_562], %swap3A_565 {strides = array<i32>} : memref<2x4x2048xf32, #tpu.memory_space<vmem>>, vector<1x1x16xf32>,
        %get3A_566 = arith.constant 1 : i32
        %get3A_567 = arith.index_cast %get3A_566 : i32 to index
        %get3A_568 = arith.index_cast %mul3A_543 : i32 to index
        %get3A_569 = tpu.vector_load %arg8[%get3A_567, %get3A_568] {strides = array<i32>} : memref<4x2048xi32, #tpu.memory_space<vmem>>, vector<1x16xi32>,
        %get3A_570 = vector.shape_cast %get3A_569 : vector<1x16xi32> to vector<16xi32>
        %and3A_571 = arith.andi %gather3A_292, %get3A_570 : vector<16xi32>
        %shift_right_arithmetic3A_572 = arith.shrsi %and3A_571, %get3A_547 : vector<16xi32>
        %and3A_573 = arith.constant 1 : i32
        %and3A_574 = vector.broadcast %and3A_573 : i32 to vector<16xi32>
        %and3A_575 = arith.andi %shift_right_arithmetic3A_572, %and3A_574 : vector<16xi32>
        %convert_element_type3A_576 = arith.sitofp %and3A_575 : vector<16xi32> to vector<16xf32>
        %swap3A_577 = arith.constant 1 : i32
        %swap3A_578 = arith.index_cast %select_n3A_176 : i32 to index
        %swap3A_579 = arith.index_cast %swap3A_577 : i32 to index
        %swap3A_580 = arith.index_cast %mul3A_543 : i32 to index
        %swap3A_581 = tpu.vector_load %arg7[%swap3A_578, %swap3A_579, %swap3A_580] {strides = array<i32>} : memref<2x4x2048xf32, #tpu.memory_space<vmem>>, vector<1x1x16xf32>,
        %swap3A_582 = vector.shape_cast %swap3A_581 : vector<1x1x16xf32> to vector<16xf32>
        %swap3A_583 = vector.shape_cast %convert_element_type3A_576 : vector<16xf32> to vector<1x1x16xf32>
        tpu.vector_store %arg7[%swap3A_578, %swap3A_579, %swap3A_580], %swap3A_583 {strides = array<i32>} : memref<2x4x2048xf32, #tpu.memory_space<vmem>>, vector<1x1x16xf32>,
        %get3A_584 = arith.constant 2 : i32
        %get3A_585 = arith.index_cast %get3A_584 : i32 to index
        %get3A_586 = arith.index_cast %mul3A_543 : i32 to index
        %get3A_587 = tpu.vector_load %arg8[%get3A_585, %get3A_586] {strides = array<i32>} : memref<4x2048xi32, #tpu.memory_space<vmem>>, vector<1x16xi32>,
        %get3A_588 = vector.shape_cast %get3A_587 : vector<1x16xi32> to vector<16xi32>
        %and3A_589 = arith.andi %gather3A_342, %get3A_588 : vector<16xi32>
        %shift_right_arithmetic3A_590 = arith.shrsi %and3A_589, %get3A_547 : vector<16xi32>
        %and3A_591 = arith.constant 1 : i32
        %and3A_592 = vector.broadcast %and3A_591 : i32 to vector<16xi32>
        %and3A_593 = arith.andi %shift_right_arithmetic3A_590, %and3A_592 : vector<16xi32>
        %convert_element_type3A_594 = arith.sitofp %and3A_593 : vector<16xi32> to vector<16xf32>
        %swap3A_595 = arith.constant 2 : i32
        %swap3A_596 = arith.index_cast %select_n3A_176 : i32 to index
        %swap3A_597 = arith.index_cast %swap3A_595 : i32 to index
        %swap3A_598 = arith.index_cast %mul3A_543 : i32 to index
        %swap3A_599 = tpu.vector_load %arg7[%swap3A_596, %swap3A_597, %swap3A_598] {strides = array<i32>} : memref<2x4x2048xf32, #tpu.memory_space<vmem>>, vector<1x1x16xf32>,
        %swap3A_600 = vector.shape_cast %swap3A_599 : vector<1x1x16xf32> to vector<16xf32>
        %swap3A_601 = vector.shape_cast %convert_element_type3A_594 : vector<16xf32> to vector<1x1x16xf32>
        tpu.vector_store %arg7[%swap3A_596, %swap3A_597, %swap3A_598], %swap3A_601 {strides = array<i32>} : memref<2x4x2048xf32, #tpu.memory_space<vmem>>, vector<1x1x16xf32>,
        %get3A_602 = arith.constant 3 : i32
        %get3A_603 = arith.index_cast %get3A_602 : i32 to index
        %get3A_604 = arith.index_cast %mul3A_543 : i32 to index
        %get3A_605 = tpu.vector_load %arg8[%get3A_603, %get3A_604] {strides = array<i32>} : memref<4x2048xi32, #tpu.memory_space<vmem>>, vector<1x16xi32>,
        %get3A_606 = vector.shape_cast %get3A_605 : vector<1x16xi32> to vector<16xi32>
        %and3A_607 = arith.andi %gather3A_392, %get3A_606 : vector<16xi32>
        %shift_right_arithmetic3A_608 = arith.shrsi %and3A_607, %get3A_547 : vector<16xi32>
        %and3A_609 = arith.constant 1 : i32
        %and3A_610 = vector.broadcast %and3A_609 : i32 to vector<16xi32>
        %and3A_611 = arith.andi %shift_right_arithmetic3A_608, %and3A_610 : vector<16xi32>
        %convert_element_type3A_612 = arith.sitofp %and3A_611 : vector<16xi32> to vector<16xf32>
        %swap3A_613 = arith.constant 3 : i32
        %swap3A_614 = arith.index_cast %select_n3A_176 : i32 to index
        %swap3A_615 = arith.index_cast %swap3A_613 : i32 to index
        %swap3A_616 = arith.index_cast %mul3A_543 : i32 to index
        %swap3A_617 = tpu.vector_load %arg7[%swap3A_614, %swap3A_615, %swap3A_616] {strides = array<i32>} : memref<2x4x2048xf32, #tpu.memory_space<vmem>>, vector<1x1x16xf32>,
        %swap3A_618 = vector.shape_cast %swap3A_617 : vector<1x1x16xf32> to vector<16xf32>
        %swap3A_619 = vector.shape_cast %convert_element_type3A_612 : vector<16xf32> to vector<1x1x16xf32>
        tpu.vector_store %arg7[%swap3A_614, %swap3A_615, %swap3A_616], %swap3A_619 {strides = array<i32>} : memref<2x4x2048xf32, #tpu.memory_space<vmem>>, vector<1x1x16xf32>,
        %scan3A_620 = arith.constant 0 : i32
        %scan3A_621 = arith.constant 2 : i32
        %scan3A_622 = arith.addi %scan3A_461, %scan3A_621 : i32
        %mul3A_623 = arith.constant 16 : i32
        %mul3A_624 = arith.muli %scan3A_622, %mul3A_623 : i32
        %get3A_625 = arith.index_cast %select_n3A_176 : i32 to index
        %get3A_626 = arith.index_cast %mul3A_624 : i32 to index
        %get3A_627 = tpu.vector_load %arg6[%get3A_625, %get3A_626] {strides = array<i32>} : memref<2x2048xi32, #tpu.memory_space<vmem>>, vector<1x16xi32>,
        %get3A_628 = vector.shape_cast %get3A_627 : vector<1x16xi32> to vector<16xi32>
        %get3A_629 = arith.constant 0 : i32
        %get3A_630 = arith.index_cast %get3A_629 : i32 to index
        %get3A_631 = arith.index_cast %mul3A_624 : i32 to index
        %get3A_632 = tpu.vector_load %arg8[%get3A_630, %get3A_631] {strides = array<i32>} : memref<4x2048xi32, #tpu.memory_space<vmem>>, vector<1x16xi32>,
        %get3A_633 = vector.shape_cast %get3A_632 : vector<1x16xi32> to vector<16xi32>
        %and3A_634 = arith.andi %gather3A_242, %get3A_633 : vector<16xi32>
        %shift_right_arithmetic3A_635 = arith.shrsi %and3A_634, %get3A_628 : vector<16xi32>
        %and3A_636 = arith.constant 1 : i32
        %and3A_637 = vector.broadcast %and3A_636 : i32 to vector<16xi32>
        %and3A_638 = arith.andi %shift_right_arithmetic3A_635, %and3A_637 : vector<16xi32>
        %convert_element_type3A_639 = arith.sitofp %and3A_638 : vector<16xi32> to vector<16xf32>
        %swap3A_640 = arith.constant 0 : i32
        %swap3A_641 = arith.index_cast %select_n3A_176 : i32 to index
        %swap3A_642 = arith.index_cast %swap3A_640 : i32 to index
        %swap3A_643 = arith.index_cast %mul3A_624 : i32 to index
        %swap3A_644 = tpu.vector_load %arg7[%swap3A_641, %swap3A_642, %swap3A_643] {strides = array<i32>} : memref<2x4x2048xf32, #tpu.memory_space<vmem>>, vector<1x1x16xf32>,
        %swap3A_645 = vector.shape_cast %swap3A_644 : vector<1x1x16xf32> to vector<16xf32>
        %swap3A_646 = vector.shape_cast %convert_element_type3A_639 : vector<16xf32> to vector<1x1x16xf32>
        tpu.vector_store %arg7[%swap3A_641, %swap3A_642, %swap3A_643], %swap3A_646 {strides = array<i32>} : memref<2x4x2048xf32, #tpu.memory_space<vmem>>, vector<1x1x16xf32>,
        %get3A_647 = arith.constant 1 : i32
        %get3A_648 = arith.index_cast %get3A_647 : i32 to index
        %get3A_649 = arith.index_cast %mul3A_624 : i32 to index
        %get3A_650 = tpu.vector_load %arg8[%get3A_648, %get3A_649] {strides = array<i32>} : memref<4x2048xi32, #tpu.memory_space<vmem>>, vector<1x16xi32>,
        %get3A_651 = vector.shape_cast %get3A_650 : vector<1x16xi32> to vector<16xi32>
        %and3A_652 = arith.andi %gather3A_292, %get3A_651 : vector<16xi32>
        %shift_right_arithmetic3A_653 = arith.shrsi %and3A_652, %get3A_628 : vector<16xi32>
        %and3A_654 = arith.constant 1 : i32
        %and3A_655 = vector.broadcast %and3A_654 : i32 to vector<16xi32>
        %and3A_656 = arith.andi %shift_right_arithmetic3A_653, %and3A_655 : vector<16xi32>
        %convert_element_type3A_657 = arith.sitofp %and3A_656 : vector<16xi32> to vector<16xf32>
        %swap3A_658 = arith.constant 1 : i32
        %swap3A_659 = arith.index_cast %select_n3A_176 : i32 to index
        %swap3A_660 = arith.index_cast %swap3A_658 : i32 to index
        %swap3A_661 = arith.index_cast %mul3A_624 : i32 to index
        %swap3A_662 = tpu.vector_load %arg7[%swap3A_659, %swap3A_660, %swap3A_661] {strides = array<i32>} : memref<2x4x2048xf32, #tpu.memory_space<vmem>>, vector<1x1x16xf32>,
        %swap3A_663 = vector.shape_cast %swap3A_662 : vector<1x1x16xf32> to vector<16xf32>
        %swap3A_664 = vector.shape_cast %convert_element_type3A_657 : vector<16xf32> to vector<1x1x16xf32>
        tpu.vector_store %arg7[%swap3A_659, %swap3A_660, %swap3A_661], %swap3A_664 {strides = array<i32>} : memref<2x4x2048xf32, #tpu.memory_space<vmem>>, vector<1x1x16xf32>,
        %get3A_665 = arith.constant 2 : i32
        %get3A_666 = arith.index_cast %get3A_665 : i32 to index
        %get3A_667 = arith.index_cast %mul3A_624 : i32 to index
        %get3A_668 = tpu.vector_load %arg8[%get3A_666, %get3A_667] {strides = array<i32>} : memref<4x2048xi32, #tpu.memory_space<vmem>>, vector<1x16xi32>,
        %get3A_669 = vector.shape_cast %get3A_668 : vector<1x16xi32> to vector<16xi32>
        %and3A_670 = arith.andi %gather3A_342, %get3A_669 : vector<16xi32>
        %shift_right_arithmetic3A_671 = arith.shrsi %and3A_670, %get3A_628 : vector<16xi32>
        %and3A_672 = arith.constant 1 : i32
        %and3A_673 = vector.broadcast %and3A_672 : i32 to vector<16xi32>
        %and3A_674 = arith.andi %shift_right_arithmetic3A_671, %and3A_673 : vector<16xi32>
        %convert_element_type3A_675 = arith.sitofp %and3A_674 : vector<16xi32> to vector<16xf32>
        %swap3A_676 = arith.constant 2 : i32
        %swap3A_677 = arith.index_cast %select_n3A_176 : i32 to index
        %swap3A_678 = arith.index_cast %swap3A_676 : i32 to index
        %swap3A_679 = arith.index_cast %mul3A_624 : i32 to index
        %swap3A_680 = tpu.vector_load %arg7[%swap3A_677, %swap3A_678, %swap3A_679] {strides = array<i32>} : memref<2x4x2048xf32, #tpu.memory_space<vmem>>, vector<1x1x16xf32>,
        %swap3A_681 = vector.shape_cast %swap3A_680 : vector<1x1x16xf32> to vector<16xf32>
        %swap3A_682 = vector.shape_cast %convert_element_type3A_675 : vector<16xf32> to vector<1x1x16xf32>
        tpu.vector_store %arg7[%swap3A_677, %swap3A_678, %swap3A_679], %swap3A_682 {strides = array<i32>} : memref<2x4x2048xf32, #tpu.memory_space<vmem>>, vector<1x1x16xf32>,
        %get3A_683 = arith.constant 3 : i32
        %get3A_684 = arith.index_cast %get3A_683 : i32 to index
        %get3A_685 = arith.index_cast %mul3A_624 : i32 to index
        %get3A_686 = tpu.vector_load %arg8[%get3A_684, %get3A_685] {strides = array<i32>} : memref<4x2048xi32, #tpu.memory_space<vmem>>, vector<1x16xi32>,
        %get3A_687 = vector.shape_cast %get3A_686 : vector<1x16xi32> to vector<16xi32>
        %and3A_688 = arith.andi %gather3A_392, %get3A_687 : vector<16xi32>
        %shift_right_arithmetic3A_689 = arith.shrsi %and3A_688, %get3A_628 : vector<16xi32>
        %and3A_690 = arith.constant 1 : i32
        %and3A_691 = vector.broadcast %and3A_690 : i32 to vector<16xi32>
        %and3A_692 = arith.andi %shift_right_arithmetic3A_689, %and3A_691 : vector<16xi32>
        %convert_element_type3A_693 = arith.sitofp %and3A_692 : vector<16xi32> to vector<16xf32>
        %swap3A_694 = arith.constant 3 : i32
        %swap3A_695 = arith.index_cast %select_n3A_176 : i32 to index
        %swap3A_696 = arith.index_cast %swap3A_694 : i32 to index
        %swap3A_697 = arith.index_cast %mul3A_624 : i32 to index
        %swap3A_698 = tpu.vector_load %arg7[%swap3A_695, %swap3A_696, %swap3A_697] {strides = array<i32>} : memref<2x4x2048xf32, #tpu.memory_space<vmem>>, vector<1x1x16xf32>,
        %swap3A_699 = vector.shape_cast %swap3A_698 : vector<1x1x16xf32> to vector<16xf32>
        %swap3A_700 = vector.shape_cast %convert_element_type3A_693 : vector<16xf32> to vector<1x1x16xf32>
        tpu.vector_store %arg7[%swap3A_695, %swap3A_696, %swap3A_697], %swap3A_700 {strides = array<i32>} : memref<2x4x2048xf32, #tpu.memory_space<vmem>>, vector<1x1x16xf32>,
        %scan3A_701 = arith.constant 0 : i32
        %scan3A_702 = arith.constant 3 : i32
        %scan3A_703 = arith.addi %scan3A_461, %scan3A_702 : i32
        %mul3A_704 = arith.constant 16 : i32
        %mul3A_705 = arith.muli %scan3A_703, %mul3A_704 : i32
        %get3A_706 = arith.index_cast %select_n3A_176 : i32 to index
        %get3A_707 = arith.index_cast %mul3A_705 : i32 to index
        %get3A_708 = tpu.vector_load %arg6[%get3A_706, %get3A_707] {strides = array<i32>} : memref<2x2048xi32, #tpu.memory_space<vmem>>, vector<1x16xi32>,
        %get3A_709 = vector.shape_cast %get3A_708 : vector<1x16xi32> to vector<16xi32>
        %get3A_710 = arith.constant 0 : i32
        %get3A_711 = arith.index_cast %get3A_710 : i32 to index
        %get3A_712 = arith.index_cast %mul3A_705 : i32 to index
        %get3A_713 = tpu.vector_load %arg8[%get3A_711, %get3A_712] {strides = array<i32>} : memref<4x2048xi32, #tpu.memory_space<vmem>>, vector<1x16xi32>,
        %get3A_714 = vector.shape_cast %get3A_713 : vector<1x16xi32> to vector<16xi32>
        %and3A_715 = arith.andi %gather3A_242, %get3A_714 : vector<16xi32>
        %shift_right_arithmetic3A_716 = arith.shrsi %and3A_715, %get3A_709 : vector<16xi32>
        %and3A_717 = arith.constant 1 : i32
        %and3A_718 = vector.broadcast %and3A_717 : i32 to vector<16xi32>
        %and3A_719 = arith.andi %shift_right_arithmetic3A_716, %and3A_718 : vector<16xi32>
        %convert_element_type3A_720 = arith.sitofp %and3A_719 : vector<16xi32> to vector<16xf32>
        %swap3A_721 = arith.constant 0 : i32
        %swap3A_722 = arith.index_cast %select_n3A_176 : i32 to index
        %swap3A_723 = arith.index_cast %swap3A_721 : i32 to index
        %swap3A_724 = arith.index_cast %mul3A_705 : i32 to index
        %swap3A_725 = tpu.vector_load %arg7[%swap3A_722, %swap3A_723, %swap3A_724] {strides = array<i32>} : memref<2x4x2048xf32, #tpu.memory_space<vmem>>, vector<1x1x16xf32>,
        %swap3A_726 = vector.shape_cast %swap3A_725 : vector<1x1x16xf32> to vector<16xf32>
        %swap3A_727 = vector.shape_cast %convert_element_type3A_720 : vector<16xf32> to vector<1x1x16xf32>
        tpu.vector_store %arg7[%swap3A_722, %swap3A_723, %swap3A_724], %swap3A_727 {strides = array<i32>} : memref<2x4x2048xf32, #tpu.memory_space<vmem>>, vector<1x1x16xf32>,
        %get3A_728 = arith.constant 1 : i32
        %get3A_729 = arith.index_cast %get3A_728 : i32 to index
        %get3A_730 = arith.index_cast %mul3A_705 : i32 to index
        %get3A_731 = tpu.vector_load %arg8[%get3A_729, %get3A_730] {strides = array<i32>} : memref<4x2048xi32, #tpu.memory_space<vmem>>, vector<1x16xi32>,
        %get3A_732 = vector.shape_cast %get3A_731 : vector<1x16xi32> to vector<16xi32>
        %and3A_733 = arith.andi %gather3A_292, %get3A_732 : vector<16xi32>
        %shift_right_arithmetic3A_734 = arith.shrsi %and3A_733, %get3A_709 : vector<16xi32>
        %and3A_735 = arith.constant 1 : i32
        %and3A_736 = vector.broadcast %and3A_735 : i32 to vector<16xi32>
        %and3A_737 = arith.andi %shift_right_arithmetic3A_734, %and3A_736 : vector<16xi32>
        %convert_element_type3A_738 = arith.sitofp %and3A_737 : vector<16xi32> to vector<16xf32>
        %swap3A_739 = arith.constant 1 : i32
        %swap3A_740 = arith.index_cast %select_n3A_176 : i32 to index
        %swap3A_741 = arith.index_cast %swap3A_739 : i32 to index
        %swap3A_742 = arith.index_cast %mul3A_705 : i32 to index
        %swap3A_743 = tpu.vector_load %arg7[%swap3A_740, %swap3A_741, %swap3A_742] {strides = array<i32>} : memref<2x4x2048xf32, #tpu.memory_space<vmem>>, vector<1x1x16xf32>,
        %swap3A_744 = vector.shape_cast %swap3A_743 : vector<1x1x16xf32> to vector<16xf32>
        %swap3A_745 = vector.shape_cast %convert_element_type3A_738 : vector<16xf32> to vector<1x1x16xf32>
        tpu.vector_store %arg7[%swap3A_740, %swap3A_741, %swap3A_742], %swap3A_745 {strides = array<i32>} : memref<2x4x2048xf32, #tpu.memory_space<vmem>>, vector<1x1x16xf32>,
        %get3A_746 = arith.constant 2 : i32
        %get3A_747 = arith.index_cast %get3A_746 : i32 to index
        %get3A_748 = arith.index_cast %mul3A_705 : i32 to index
        %get3A_749 = tpu.vector_load %arg8[%get3A_747, %get3A_748] {strides = array<i32>} : memref<4x2048xi32, #tpu.memory_space<vmem>>, vector<1x16xi32>,
        %get3A_750 = vector.shape_cast %get3A_749 : vector<1x16xi32> to vector<16xi32>
        %and3A_751 = arith.andi %gather3A_342, %get3A_750 : vector<16xi32>
        %shift_right_arithmetic3A_752 = arith.shrsi %and3A_751, %get3A_709 : vector<16xi32>
        %and3A_753 = arith.constant 1 : i32
        %and3A_754 = vector.broadcast %and3A_753 : i32 to vector<16xi32>
        %and3A_755 = arith.andi %shift_right_arithmetic3A_752, %and3A_754 : vector<16xi32>
        %convert_element_type3A_756 = arith.sitofp %and3A_755 : vector<16xi32> to vector<16xf32>
        %swap3A_757 = arith.constant 2 : i32
        %swap3A_758 = arith.index_cast %select_n3A_176 : i32 to index
        %swap3A_759 = arith.index_cast %swap3A_757 : i32 to index
        %swap3A_760 = arith.index_cast %mul3A_705 : i32 to index
        %swap3A_761 = tpu.vector_load %arg7[%swap3A_758, %swap3A_759, %swap3A_760] {strides = array<i32>} : memref<2x4x2048xf32, #tpu.memory_space<vmem>>, vector<1x1x16xf32>,
        %swap3A_762 = vector.shape_cast %swap3A_761 : vector<1x1x16xf32> to vector<16xf32>
        %swap3A_763 = vector.shape_cast %convert_element_type3A_756 : vector<16xf32> to vector<1x1x16xf32>
        tpu.vector_store %arg7[%swap3A_758, %swap3A_759, %swap3A_760], %swap3A_763 {strides = array<i32>} : memref<2x4x2048xf32, #tpu.memory_space<vmem>>, vector<1x1x16xf32>,
        %get3A_764 = arith.constant 3 : i32
        %get3A_765 = arith.index_cast %get3A_764 : i32 to index
        %get3A_766 = arith.index_cast %mul3A_705 : i32 to index
        %get3A_767 = tpu.vector_load %arg8[%get3A_765, %get3A_766] {strides = array<i32>} : memref<4x2048xi32, #tpu.memory_space<vmem>>, vector<1x16xi32>,
        %get3A_768 = vector.shape_cast %get3A_767 : vector<1x16xi32> to vector<16xi32>
        %and3A_769 = arith.andi %gather3A_392, %get3A_768 : vector<16xi32>
        %shift_right_arithmetic3A_770 = arith.shrsi %and3A_769, %get3A_709 : vector<16xi32>
        %and3A_771 = arith.constant 1 : i32
        %and3A_772 = vector.broadcast %and3A_771 : i32 to vector<16xi32>
        %and3A_773 = arith.andi %shift_right_arithmetic3A_770, %and3A_772 : vector<16xi32>
        %convert_element_type3A_774 = arith.sitofp %and3A_773 : vector<16xi32> to vector<16xf32>
        %swap3A_775 = arith.constant 3 : i32
        %swap3A_776 = arith.index_cast %select_n3A_176 : i32 to index
        %swap3A_777 = arith.index_cast %swap3A_775 : i32 to index
        %swap3A_778 = arith.index_cast %mul3A_705 : i32 to index
        %swap3A_779 = tpu.vector_load %arg7[%swap3A_776, %swap3A_777, %swap3A_778] {strides = array<i32>} : memref<2x4x2048xf32, #tpu.memory_space<vmem>>, vector<1x1x16xf32>,
        %swap3A_780 = vector.shape_cast %swap3A_779 : vector<1x1x16xf32> to vector<16xf32>
        %swap3A_781 = vector.shape_cast %convert_element_type3A_774 : vector<16xf32> to vector<1x1x16xf32>
        tpu.vector_store %arg7[%swap3A_776, %swap3A_777, %swap3A_778], %swap3A_781 {strides = array<i32>} : memref<2x4x2048xf32, #tpu.memory_space<vmem>>, vector<1x1x16xf32>,
        %scan3A_782 = arith.constant 0 : i32
        scf.yield %scan3A_782 : i32
      }
      %scan3A_399 = arith.constant 128 : i32
      %add3A_400 = arith.addi %mul3A_2, %scan3A_166 : i32
      %dma_start3A_401 = arith.constant 0 : i32
      %dma_start3A_402 = arith.constant 0 : i32
      %dma_start3A_403 = arith.constant 0 : i32
      %dma_start3A_404 = tpu.memref_slice %arg7[%select_n3A_176, %dma_start3A_401, %dma_start3A_403] : memref<2x4x2048xf32, #tpu.memory_space<vmem>> -> memref<1x1x2048xf32, #tpu.memory_space<vmem>>
      %dma_start3A_405 = tpu.memref_squeeze %dma_start3A_404 : memref<1x1x2048xf32, #tpu.memory_space<vmem>> -> memref<2048xf32, #tpu.memory_space<vmem>>
      %dma_start3A_406 = arith.constant 0 : i32
      %dma_start3A_407 = tpu.memref_slice %arg5[%dma_start3A_402, %add3A_400, %dma_start3A_406] : memref<4x2048x2048xf32, #tpu.memory_space<hbm>> -> memref<1x1x2048xf32, #tpu.memory_space<hbm>>
      %dma_start3A_408 = tpu.memref_squeeze %dma_start3A_407 : memref<1x1x2048xf32, #tpu.memory_space<hbm>> -> memref<2048xf32, #tpu.memory_space<hbm>>
      %dma_start3A_409 = arith.constant 0 : i32
      %dma_start3A_410 = tpu.memref_slice %arg5[%dma_start3A_402, %add3A_400, %dma_start3A_409] : memref<4x2048x2048xf32, #tpu.memory_space<hbm>> -> memref<1x1x2048xf32, #tpu.memory_space<hbm>>
      %dma_start3A_411 = tpu.memref_squeeze %dma_start3A_410 : memref<1x1x2048xf32, #tpu.memory_space<hbm>> -> memref<2048xf32, #tpu.memory_space<hbm>>
      %dma_start3A_412 = arith.constant 0 : i32
      %dma_start3A_413 = tpu.memref_slice %arg7[%select_n3A_176, %dma_start3A_401, %dma_start3A_412] : memref<2x4x2048xf32, #tpu.memory_space<vmem>> -> memref<1x1x2048xf32, #tpu.memory_space<vmem>>
      %dma_start3A_414 = tpu.memref_squeeze %dma_start3A_413 : memref<1x1x2048xf32, #tpu.memory_space<vmem>> -> memref<2048xf32, #tpu.memory_space<vmem>>
      tpu.enqueue_dma source(%dma_start3A_414 : memref<2048xf32, #tpu.memory_space<vmem>>) target(%dma_start3A_411 : memref<2048xf32, #tpu.memory_space<hbm>>) target_semaphore(%arg11 : memref<!tpu.dma_semaphore, #tpu.memory_space<semaphore_mem>>)
      %add3A_415 = arith.addi %mul3A_2, %scan3A_166 : i32
      %dma_start3A_416 = arith.constant 1 : i32
      %dma_start3A_417 = arith.constant 1 : i32
      %dma_start3A_418 = arith.constant 0 : i32
      %dma_start3A_419 = tpu.memref_slice %arg7[%select_n3A_176, %dma_start3A_416, %dma_start3A_418] : memref<2x4x2048xf32, #tpu.memory_space<vmem>> -> memref<1x1x2048xf32, #tpu.memory_space<vmem>>
      %dma_start3A_420 = tpu.memref_squeeze %dma_start3A_419 : memref<1x1x2048xf32, #tpu.memory_space<vmem>> -> memref<2048xf32, #tpu.memory_space<vmem>>
      %dma_start3A_421 = arith.constant 0 : i32
      %dma_start3A_422 = tpu.memref_slice %arg5[%dma_start3A_417, %add3A_415, %dma_start3A_421] : memref<4x2048x2048xf32, #tpu.memory_space<hbm>> -> memref<1x1x2048xf32, #tpu.memory_space<hbm>>
      %dma_start3A_423 = tpu.memref_squeeze %dma_start3A_422 : memref<1x1x2048xf32, #tpu.memory_space<hbm>> -> memref<2048xf32, #tpu.memory_space<hbm>>
      %dma_start3A_424 = arith.constant 0 : i32
      %dma_start3A_425 = tpu.memref_slice %arg5[%dma_start3A_417, %add3A_415, %dma_start3A_424] : memref<4x2048x2048xf32, #tpu.memory_space<hbm>> -> memref<1x1x2048xf32, #tpu.memory_space<hbm>>
      %dma_start3A_426 = tpu.memref_squeeze %dma_start3A_425 : memref<1x1x2048xf32, #tpu.memory_space<hbm>> -> memref<2048xf32, #tpu.memory_space<hbm>>
      %dma_start3A_427 = arith.constant 0 : i32
      %dma_start3A_428 = tpu.memref_slice %arg7[%select_n3A_176, %dma_start3A_416, %dma_start3A_427] : memref<2x4x2048xf32, #tpu.memory_space<vmem>> -> memref<1x1x2048xf32, #tpu.memory_space<vmem>>
      %dma_start3A_429 = tpu.memref_squeeze %dma_start3A_428 : memref<1x1x2048xf32, #tpu.memory_space<vmem>> -> memref<2048xf32, #tpu.memory_space<vmem>>
      tpu.enqueue_dma source(%dma_start3A_429 : memref<2048xf32, #tpu.memory_space<vmem>>) target(%dma_start3A_426 : memref<2048xf32, #tpu.memory_space<hbm>>) target_semaphore(%arg11 : memref<!tpu.dma_semaphore, #tpu.memory_space<semaphore_mem>>)
      %add3A_430 = arith.addi %mul3A_2, %scan3A_166 : i32
      %dma_start3A_431 = arith.constant 2 : i32
      %dma_start3A_432 = arith.constant 2 : i32
      %dma_start3A_433 = arith.constant 0 : i32
      %dma_start3A_434 = tpu.memref_slice %arg7[%select_n3A_176, %dma_start3A_431, %dma_start3A_433] : memref<2x4x2048xf32, #tpu.memory_space<vmem>> -> memref<1x1x2048xf32, #tpu.memory_space<vmem>>
      %dma_start3A_435 = tpu.memref_squeeze %dma_start3A_434 : memref<1x1x2048xf32, #tpu.memory_space<vmem>> -> memref<2048xf32, #tpu.memory_space<vmem>>
      %dma_start3A_436 = arith.constant 0 : i32
      %dma_start3A_437 = tpu.memref_slice %arg5[%dma_start3A_432, %add3A_430, %dma_start3A_436] : memref<4x2048x2048xf32, #tpu.memory_space<hbm>> -> memref<1x1x2048xf32, #tpu.memory_space<hbm>>
      %dma_start3A_438 = tpu.memref_squeeze %dma_start3A_437 : memref<1x1x2048xf32, #tpu.memory_space<hbm>> -> memref<2048xf32, #tpu.memory_space<hbm>>
      %dma_start3A_439 = arith.constant 0 : i32
      %dma_start3A_440 = tpu.memref_slice %arg5[%dma_start3A_432, %add3A_430, %dma_start3A_439] : memref<4x2048x2048xf32, #tpu.memory_space<hbm>> -> memref<1x1x2048xf32, #tpu.memory_space<hbm>>
      %dma_start3A_441 = tpu.memref_squeeze %dma_start3A_440 : memref<1x1x2048xf32, #tpu.memory_space<hbm>> -> memref<2048xf32, #tpu.memory_space<hbm>>
      %dma_start3A_442 = arith.constant 0 : i32
      %dma_start3A_443 = tpu.memref_slice %arg7[%select_n3A_176, %dma_start3A_431, %dma_start3A_442] : memref<2x4x2048xf32, #tpu.memory_space<vmem>> -> memref<1x1x2048xf32, #tpu.memory_space<vmem>>
      %dma_start3A_444 = tpu.memref_squeeze %dma_start3A_443 : memref<1x1x2048xf32, #tpu.memory_space<vmem>> -> memref<2048xf32, #tpu.memory_space<vmem>>
      tpu.enqueue_dma source(%dma_start3A_444 : memref<2048xf32, #tpu.memory_space<vmem>>) target(%dma_start3A_441 : memref<2048xf32, #tpu.memory_space<hbm>>) target_semaphore(%arg11 : memref<!tpu.dma_semaphore, #tpu.memory_space<semaphore_mem>>)
      %add3A_445 = arith.addi %mul3A_2, %scan3A_166 : i32
      %dma_start3A_446 = arith.constant 3 : i32
      %dma_start3A_447 = arith.constant 3 : i32
      %dma_start3A_448 = arith.constant 0 : i32
      %dma_start3A_449 = tpu.memref_slice %arg7[%select_n3A_176, %dma_start3A_446, %dma_start3A_448] : memref<2x4x2048xf32, #tpu.memory_space<vmem>> -> memref<1x1x2048xf32, #tpu.memory_space<vmem>>
      %dma_start3A_450 = tpu.memref_squeeze %dma_start3A_449 : memref<1x1x2048xf32, #tpu.memory_space<vmem>> -> memref<2048xf32, #tpu.memory_space<vmem>>
      %dma_start3A_451 = arith.constant 0 : i32
      %dma_start3A_452 = tpu.memref_slice %arg5[%dma_start3A_447, %add3A_445, %dma_start3A_451] : memref<4x2048x2048xf32, #tpu.memory_space<hbm>> -> memref<1x1x2048xf32, #tpu.memory_space<hbm>>
      %dma_start3A_453 = tpu.memref_squeeze %dma_start3A_452 : memref<1x1x2048xf32, #tpu.memory_space<hbm>> -> memref<2048xf32, #tpu.memory_space<hbm>>
      %dma_start3A_454 = arith.constant 0 : i32
      %dma_start3A_455 = tpu.memref_slice %arg5[%dma_start3A_447, %add3A_445, %dma_start3A_454] : memref<4x2048x2048xf32, #tpu.memory_space<hbm>> -> memref<1x1x2048xf32, #tpu.memory_space<hbm>>
      %dma_start3A_456 = tpu.memref_squeeze %dma_start3A_455 : memref<1x1x2048xf32, #tpu.memory_space<hbm>> -> memref<2048xf32, #tpu.memory_space<hbm>>
      %dma_start3A_457 = arith.constant 0 : i32
      %dma_start3A_458 = tpu.memref_slice %arg7[%select_n3A_176, %dma_start3A_446, %dma_start3A_457] : memref<2x4x2048xf32, #tpu.memory_space<vmem>> -> memref<1x1x2048xf32, #tpu.memory_space<vmem>>
      %dma_start3A_459 = tpu.memref_squeeze %dma_start3A_458 : memref<1x1x2048xf32, #tpu.memory_space<vmem>> -> memref<2048xf32, #tpu.memory_space<vmem>>
      tpu.enqueue_dma source(%dma_start3A_459 : memref<2048xf32, #tpu.memory_space<vmem>>) target(%dma_start3A_456 : memref<2048xf32, #tpu.memory_space<hbm>>) target_semaphore(%arg11 : memref<!tpu.dma_semaphore, #tpu.memory_space<semaphore_mem>>)
      %scan3A_460 = arith.constant 0 : i32
      scf.yield %scan3A_460 : i32
    }
    %scan3A_30 = arith.constant 64 : i32
    %add3A_31 = arith.constant 62 : i32
    %add3A_32 = arith.addi %mul3A_2, %add3A_31 : i32
    %dma_wait3A = arith.constant 0 : i32
    %dma_wait3A_33 = arith.constant 0 : i32
    %dma_wait3A_34 = arith.constant 0 : i32
    %dma_wait3A_35 = arith.constant 0 : i32
    %dma_wait3A_36 = tpu.memref_slice %arg7[%dma_wait3A, %dma_wait3A_33, %dma_wait3A_35] : memref<2x4x2048xf32, #tpu.memory_space<vmem>> -> memref<1x1x2048xf32, #tpu.memory_space<vmem>>
    %dma_wait3A_37 = tpu.memref_squeeze %dma_wait3A_36 : memref<1x1x2048xf32, #tpu.memory_space<vmem>> -> memref<2048xf32, #tpu.memory_space<vmem>>
    %dma_wait3A_38 = arith.constant 0 : i32
    %dma_wait3A_39 = tpu.memref_slice %arg5[%dma_wait3A_34, %add3A_32, %dma_wait3A_38] : memref<4x2048x2048xf32, #tpu.memory_space<hbm>> -> memref<1x1x2048xf32, #tpu.memory_space<hbm>>
    %dma_wait3A_40 = tpu.memref_squeeze %dma_wait3A_39 : memref<1x1x2048xf32, #tpu.memory_space<hbm>> -> memref<2048xf32, #tpu.memory_space<hbm>>
    %dma_wait3A_41 = arith.constant 0 : i32
    %dma_wait3A_42 = tpu.memref_slice %arg5[%dma_wait3A_34, %add3A_32, %dma_wait3A_41] : memref<4x2048x2048xf32, #tpu.memory_space<hbm>> -> memref<1x1x2048xf32, #tpu.memory_space<hbm>>
    %dma_wait3A_43 = tpu.memref_squeeze %dma_wait3A_42 : memref<1x1x2048xf32, #tpu.memory_space<hbm>> -> memref<2048xf32, #tpu.memory_space<hbm>>
    %dma_wait3A_44 = arith.constant 0 : i32
    %dma_wait3A_45 = tpu.memref_slice %arg7[%dma_wait3A, %dma_wait3A_33, %dma_wait3A_44] : memref<2x4x2048xf32, #tpu.memory_space<vmem>> -> memref<1x1x2048xf32, #tpu.memory_space<vmem>>
    %dma_wait3A_46 = tpu.memref_squeeze %dma_wait3A_45 : memref<1x1x2048xf32, #tpu.memory_space<vmem>> -> memref<2048xf32, #tpu.memory_space<vmem>>
    tpu.wait_dma2 semaphore(%arg11 : memref<!tpu.dma_semaphore, #tpu.memory_space<semaphore_mem>>) src(%dma_wait3A_46 : memref<2048xf32, #tpu.memory_space<vmem>>) dst(%dma_wait3A_43 : memref<2048xf32, #tpu.memory_space<hbm>>)
    %add3A_47 = arith.constant 62 : i32
    %add3A_48 = arith.addi %mul3A_2, %add3A_47 : i32
    %dma_wait3A_49 = arith.constant 0 : i32
    %dma_wait3A_50 = arith.constant 1 : i32
    %dma_wait3A_51 = arith.constant 1 : i32
    %dma_wait3A_52 = arith.constant 0 : i32
    %dma_wait3A_53 = tpu.memref_slice %arg7[%dma_wait3A_49, %dma_wait3A_50, %dma_wait3A_52] : memref<2x4x2048xf32, #tpu.memory_space<vmem>> -> memref<1x1x2048xf32, #tpu.memory_space<vmem>>
    %dma_wait3A_54 = tpu.memref_squeeze %dma_wait3A_53 : memref<1x1x2048xf32, #tpu.memory_space<vmem>> -> memref<2048xf32, #tpu.memory_space<vmem>>
    %dma_wait3A_55 = arith.constant 0 : i32
    %dma_wait3A_56 = tpu.memref_slice %arg5[%dma_wait3A_51, %add3A_48, %dma_wait3A_55] : memref<4x2048x2048xf32, #tpu.memory_space<hbm>> -> memref<1x1x2048xf32, #tpu.memory_space<hbm>>
    %dma_wait3A_57 = tpu.memref_squeeze %dma_wait3A_56 : memref<1x1x2048xf32, #tpu.memory_space<hbm>> -> memref<2048xf32, #tpu.memory_space<hbm>>
    %dma_wait3A_58 = arith.constant 0 : i32
    %dma_wait3A_59 = tpu.memref_slice %arg5[%dma_wait3A_51, %add3A_48, %dma_wait3A_58] : memref<4x2048x2048xf32, #tpu.memory_space<hbm>> -> memref<1x1x2048xf32, #tpu.memory_space<hbm>>
    %dma_wait3A_60 = tpu.memref_squeeze %dma_wait3A_59 : memref<1x1x2048xf32, #tpu.memory_space<hbm>> -> memref<2048xf32, #tpu.memory_space<hbm>>
    %dma_wait3A_61 = arith.constant 0 : i32
    %dma_wait3A_62 = tpu.memref_slice %arg7[%dma_wait3A_49, %dma_wait3A_50, %dma_wait3A_61] : memref<2x4x2048xf32, #tpu.memory_space<vmem>> -> memref<1x1x2048xf32, #tpu.memory_space<vmem>>
    %dma_wait3A_63 = tpu.memref_squeeze %dma_wait3A_62 : memref<1x1x2048xf32, #tpu.memory_space<vmem>> -> memref<2048xf32, #tpu.memory_space<vmem>>
    tpu.wait_dma2 semaphore(%arg11 : memref<!tpu.dma_semaphore, #tpu.memory_space<semaphore_mem>>) src(%dma_wait3A_63 : memref<2048xf32, #tpu.memory_space<vmem>>) dst(%dma_wait3A_60 : memref<2048xf32, #tpu.memory_space<hbm>>)
    %add3A_64 = arith.constant 62 : i32
    %add3A_65 = arith.addi %mul3A_2, %add3A_64 : i32
    %dma_wait3A_66 = arith.constant 0 : i32
    %dma_wait3A_67 = arith.constant 2 : i32
    %dma_wait3A_68 = arith.constant 2 : i32
    %dma_wait3A_69 = arith.constant 0 : i32
    %dma_wait3A_70 = tpu.memref_slice %arg7[%dma_wait3A_66, %dma_wait3A_67, %dma_wait3A_69] : memref<2x4x2048xf32, #tpu.memory_space<vmem>> -> memref<1x1x2048xf32, #tpu.memory_space<vmem>>
    %dma_wait3A_71 = tpu.memref_squeeze %dma_wait3A_70 : memref<1x1x2048xf32, #tpu.memory_space<vmem>> -> memref<2048xf32, #tpu.memory_space<vmem>>
    %dma_wait3A_72 = arith.constant 0 : i32
    %dma_wait3A_73 = tpu.memref_slice %arg5[%dma_wait3A_68, %add3A_65, %dma_wait3A_72] : memref<4x2048x2048xf32, #tpu.memory_space<hbm>> -> memref<1x1x2048xf32, #tpu.memory_space<hbm>>
    %dma_wait3A_74 = tpu.memref_squeeze %dma_wait3A_73 : memref<1x1x2048xf32, #tpu.memory_space<hbm>> -> memref<2048xf32, #tpu.memory_space<hbm>>
    %dma_wait3A_75 = arith.constant 0 : i32
    %dma_wait3A_76 = tpu.memref_slice %arg5[%dma_wait3A_68, %add3A_65, %dma_wait3A_75] : memref<4x2048x2048xf32, #tpu.memory_space<hbm>> -> memref<1x1x2048xf32, #tpu.memory_space<hbm>>
    %dma_wait3A_77 = tpu.memref_squeeze %dma_wait3A_76 : memref<1x1x2048xf32, #tpu.memory_space<hbm>> -> memref<2048xf32, #tpu.memory_space<hbm>>
    %dma_wait3A_78 = arith.constant 0 : i32
    %dma_wait3A_79 = tpu.memref_slice %arg7[%dma_wait3A_66, %dma_wait3A_67, %dma_wait3A_78] : memref<2x4x2048xf32, #tpu.memory_space<vmem>> -> memref<1x1x2048xf32, #tpu.memory_space<vmem>>
    %dma_wait3A_80 = tpu.memref_squeeze %dma_wait3A_79 : memref<1x1x2048xf32, #tpu.memory_space<vmem>> -> memref<2048xf32, #tpu.memory_space<vmem>>
    tpu.wait_dma2 semaphore(%arg11 : memref<!tpu.dma_semaphore, #tpu.memory_space<semaphore_mem>>) src(%dma_wait3A_80 : memref<2048xf32, #tpu.memory_space<vmem>>) dst(%dma_wait3A_77 : memref<2048xf32, #tpu.memory_space<hbm>>)
    %add3A_81 = arith.constant 62 : i32
    %add3A_82 = arith.addi %mul3A_2, %add3A_81 : i32
    %dma_wait3A_83 = arith.constant 0 : i32
    %dma_wait3A_84 = arith.constant 3 : i32
    %dma_wait3A_85 = arith.constant 3 : i32
    %dma_wait3A_86 = arith.constant 0 : i32
    %dma_wait3A_87 = tpu.memref_slice %arg7[%dma_wait3A_83, %dma_wait3A_84, %dma_wait3A_86] : memref<2x4x2048xf32, #tpu.memory_space<vmem>> -> memref<1x1x2048xf32, #tpu.memory_space<vmem>>
    %dma_wait3A_88 = tpu.memref_squeeze %dma_wait3A_87 : memref<1x1x2048xf32, #tpu.memory_space<vmem>> -> memref<2048xf32, #tpu.memory_space<vmem>>
    %dma_wait3A_89 = arith.constant 0 : i32
    %dma_wait3A_90 = tpu.memref_slice %arg5[%dma_wait3A_85, %add3A_82, %dma_wait3A_89] : memref<4x2048x2048xf32, #tpu.memory_space<hbm>> -> memref<1x1x2048xf32, #tpu.memory_space<hbm>>
    %dma_wait3A_91 = tpu.memref_squeeze %dma_wait3A_90 : memref<1x1x2048xf32, #tpu.memory_space<hbm>> -> memref<2048xf32, #tpu.memory_space<hbm>>
    %dma_wait3A_92 = arith.constant 0 : i32
    %dma_wait3A_93 = tpu.memref_slice %arg5[%dma_wait3A_85, %add3A_82, %dma_wait3A_92] : memref<4x2048x2048xf32, #tpu.memory_space<hbm>> -> memref<1x1x2048xf32, #tpu.memory_space<hbm>>
    %dma_wait3A_94 = tpu.memref_squeeze %dma_wait3A_93 : memref<1x1x2048xf32, #tpu.memory_space<hbm>> -> memref<2048xf32, #tpu.memory_space<hbm>>
    %dma_wait3A_95 = arith.constant 0 : i32
    %dma_wait3A_96 = tpu.memref_slice %arg7[%dma_wait3A_83, %dma_wait3A_84, %dma_wait3A_95] : memref<2x4x2048xf32, #tpu.memory_space<vmem>> -> memref<1x1x2048xf32, #tpu.memory_space<vmem>>
    %dma_wait3A_97 = tpu.memref_squeeze %dma_wait3A_96 : memref<1x1x2048xf32, #tpu.memory_space<vmem>> -> memref<2048xf32, #tpu.memory_space<vmem>>
    tpu.wait_dma2 semaphore(%arg11 : memref<!tpu.dma_semaphore, #tpu.memory_space<semaphore_mem>>) src(%dma_wait3A_97 : memref<2048xf32, #tpu.memory_space<vmem>>) dst(%dma_wait3A_94 : memref<2048xf32, #tpu.memory_space<hbm>>)
    %add3A_98 = arith.constant 63 : i32
    %add3A_99 = arith.addi %mul3A_2, %add3A_98 : i32
    %dma_wait3A_100 = arith.constant 1 : i32
    %dma_wait3A_101 = arith.constant 0 : i32
    %dma_wait3A_102 = arith.constant 0 : i32
    %dma_wait3A_103 = arith.constant 0 : i32
    %dma_wait3A_104 = tpu.memref_slice %arg7[%dma_wait3A_100, %dma_wait3A_101, %dma_wait3A_103] : memref<2x4x2048xf32, #tpu.memory_space<vmem>> -> memref<1x1x2048xf32, #tpu.memory_space<vmem>>
    %dma_wait3A_105 = tpu.memref_squeeze %dma_wait3A_104 : memref<1x1x2048xf32, #tpu.memory_space<vmem>> -> memref<2048xf32, #tpu.memory_space<vmem>>
    %dma_wait3A_106 = arith.constant 0 : i32
    %dma_wait3A_107 = tpu.memref_slice %arg5[%dma_wait3A_102, %add3A_99, %dma_wait3A_106] : memref<4x2048x2048xf32, #tpu.memory_space<hbm>> -> memref<1x1x2048xf32, #tpu.memory_space<hbm>>
    %dma_wait3A_108 = tpu.memref_squeeze %dma_wait3A_107 : memref<1x1x2048xf32, #tpu.memory_space<hbm>> -> memref<2048xf32, #tpu.memory_space<hbm>>
    %dma_wait3A_109 = arith.constant 0 : i32
    %dma_wait3A_110 = tpu.memref_slice %arg5[%dma_wait3A_102, %add3A_99, %dma_wait3A_109] : memref<4x2048x2048xf32, #tpu.memory_space<hbm>> -> memref<1x1x2048xf32, #tpu.memory_space<hbm>>
    %dma_wait3A_111 = tpu.memref_squeeze %dma_wait3A_110 : memref<1x1x2048xf32, #tpu.memory_space<hbm>> -> memref<2048xf32, #tpu.memory_space<hbm>>
    %dma_wait3A_112 = arith.constant 0 : i32
    %dma_wait3A_113 = tpu.memref_slice %arg7[%dma_wait3A_100, %dma_wait3A_101, %dma_wait3A_112] : memref<2x4x2048xf32, #tpu.memory_space<vmem>> -> memref<1x1x2048xf32, #tpu.memory_space<vmem>>
    %dma_wait3A_114 = tpu.memref_squeeze %dma_wait3A_113 : memref<1x1x2048xf32, #tpu.memory_space<vmem>> -> memref<2048xf32, #tpu.memory_space<vmem>>
    tpu.wait_dma2 semaphore(%arg11 : memref<!tpu.dma_semaphore, #tpu.memory_space<semaphore_mem>>) src(%dma_wait3A_114 : memref<2048xf32, #tpu.memory_space<vmem>>) dst(%dma_wait3A_111 : memref<2048xf32, #tpu.memory_space<hbm>>)
    %add3A_115 = arith.constant 63 : i32
    %add3A_116 = arith.addi %mul3A_2, %add3A_115 : i32
    %dma_wait3A_117 = arith.constant 1 : i32
    %dma_wait3A_118 = arith.constant 1 : i32
    %dma_wait3A_119 = arith.constant 1 : i32
    %dma_wait3A_120 = arith.constant 0 : i32
    %dma_wait3A_121 = tpu.memref_slice %arg7[%dma_wait3A_117, %dma_wait3A_118, %dma_wait3A_120] : memref<2x4x2048xf32, #tpu.memory_space<vmem>> -> memref<1x1x2048xf32, #tpu.memory_space<vmem>>
    %dma_wait3A_122 = tpu.memref_squeeze %dma_wait3A_121 : memref<1x1x2048xf32, #tpu.memory_space<vmem>> -> memref<2048xf32, #tpu.memory_space<vmem>>
    %dma_wait3A_123 = arith.constant 0 : i32
    %dma_wait3A_124 = tpu.memref_slice %arg5[%dma_wait3A_119, %add3A_116, %dma_wait3A_123] : memref<4x2048x2048xf32, #tpu.memory_space<hbm>> -> memref<1x1x2048xf32, #tpu.memory_space<hbm>>
    %dma_wait3A_125 = tpu.memref_squeeze %dma_wait3A_124 : memref<1x1x2048xf32, #tpu.memory_space<hbm>> -> memref<2048xf32, #tpu.memory_space<hbm>>
    %dma_wait3A_126 = arith.constant 0 : i32
    %dma_wait3A_127 = tpu.memref_slice %arg5[%dma_wait3A_119, %add3A_116, %dma_wait3A_126] : memref<4x2048x2048xf32, #tpu.memory_space<hbm>> -> memref<1x1x2048xf32, #tpu.memory_space<hbm>>
    %dma_wait3A_128 = tpu.memref_squeeze %dma_wait3A_127 : memref<1x1x2048xf32, #tpu.memory_space<hbm>> -> memref<2048xf32, #tpu.memory_space<hbm>>
    %dma_wait3A_129 = arith.constant 0 : i32
    %dma_wait3A_130 = tpu.memref_slice %arg7[%dma_wait3A_117, %dma_wait3A_118, %dma_wait3A_129] : memref<2x4x2048xf32, #tpu.memory_space<vmem>> -> memref<1x1x2048xf32, #tpu.memory_space<vmem>>
    %dma_wait3A_131 = tpu.memref_squeeze %dma_wait3A_130 : memref<1x1x2048xf32, #tpu.memory_space<vmem>> -> memref<2048xf32, #tpu.memory_space<vmem>>
    tpu.wait_dma2 semaphore(%arg11 : memref<!tpu.dma_semaphore, #tpu.memory_space<semaphore_mem>>) src(%dma_wait3A_131 : memref<2048xf32, #tpu.memory_space<vmem>>) dst(%dma_wait3A_128 : memref<2048xf32, #tpu.memory_space<hbm>>)
    %add3A_132 = arith.constant 63 : i32
    %add3A_133 = arith.addi %mul3A_2, %add3A_132 : i32
    %dma_wait3A_134 = arith.constant 1 : i32
    %dma_wait3A_135 = arith.constant 2 : i32
    %dma_wait3A_136 = arith.constant 2 : i32
    %dma_wait3A_137 = arith.constant 0 : i32
    %dma_wait3A_138 = tpu.memref_slice %arg7[%dma_wait3A_134, %dma_wait3A_135, %dma_wait3A_137] : memref<2x4x2048xf32, #tpu.memory_space<vmem>> -> memref<1x1x2048xf32, #tpu.memory_space<vmem>>
    %dma_wait3A_139 = tpu.memref_squeeze %dma_wait3A_138 : memref<1x1x2048xf32, #tpu.memory_space<vmem>> -> memref<2048xf32, #tpu.memory_space<vmem>>
    %dma_wait3A_140 = arith.constant 0 : i32
    %dma_wait3A_141 = tpu.memref_slice %arg5[%dma_wait3A_136, %add3A_133, %dma_wait3A_140] : memref<4x2048x2048xf32, #tpu.memory_space<hbm>> -> memref<1x1x2048xf32, #tpu.memory_space<hbm>>
    %dma_wait3A_142 = tpu.memref_squeeze %dma_wait3A_141 : memref<1x1x2048xf32, #tpu.memory_space<hbm>> -> memref<2048xf32, #tpu.memory_space<hbm>>
    %dma_wait3A_143 = arith.constant 0 : i32
    %dma_wait3A_144 = tpu.memref_slice %arg5[%dma_wait3A_136, %add3A_133, %dma_wait3A_143] : memref<4x2048x2048xf32, #tpu.memory_space<hbm>> -> memref<1x1x2048xf32, #tpu.memory_space<hbm>>
    %dma_wait3A_145 = tpu.memref_squeeze %dma_wait3A_144 : memref<1x1x2048xf32, #tpu.memory_space<hbm>> -> memref<2048xf32, #tpu.memory_space<hbm>>
    %dma_wait3A_146 = arith.constant 0 : i32
    %dma_wait3A_147 = tpu.memref_slice %arg7[%dma_wait3A_134, %dma_wait3A_135, %dma_wait3A_146] : memref<2x4x2048xf32, #tpu.memory_space<vmem>> -> memref<1x1x2048xf32, #tpu.memory_space<vmem>>
    %dma_wait3A_148 = tpu.memref_squeeze %dma_wait3A_147 : memref<1x1x2048xf32, #tpu.memory_space<vmem>> -> memref<2048xf32, #tpu.memory_space<vmem>>
    tpu.wait_dma2 semaphore(%arg11 : memref<!tpu.dma_semaphore, #tpu.memory_space<semaphore_mem>>) src(%dma_wait3A_148 : memref<2048xf32, #tpu.memory_space<vmem>>) dst(%dma_wait3A_145 : memref<2048xf32, #tpu.memory_space<hbm>>)
    %add3A_149 = arith.constant 63 : i32
    %add3A_150 = arith.addi %mul3A_2, %add3A_149 : i32
    %dma_wait3A_151 = arith.constant 1 : i32
    %dma_wait3A_152 = arith.constant 3 : i32
    %dma_wait3A_153 = arith.constant 3 : i32
    %dma_wait3A_154 = arith.constant 0 : i32
    %dma_wait3A_155 = tpu.memref_slice %arg7[%dma_wait3A_151, %dma_wait3A_152, %dma_wait3A_154] : memref<2x4x2048xf32, #tpu.memory_space<vmem>> -> memref<1x1x2048xf32, #tpu.memory_space<vmem>>
    %dma_wait3A_156 = tpu.memref_squeeze %dma_wait3A_155 : memref<1x1x2048xf32, #tpu.memory_space<vmem>> -> memref<2048xf32, #tpu.memory_space<vmem>>
    %dma_wait3A_157 = arith.constant 0 : i32
    %dma_wait3A_158 = tpu.memref_slice %arg5[%dma_wait3A_153, %add3A_150, %dma_wait3A_157] : memref<4x2048x2048xf32, #tpu.memory_space<hbm>> -> memref<1x1x2048xf32, #tpu.memory_space<hbm>>
    %dma_wait3A_159 = tpu.memref_squeeze %dma_wait3A_158 : memref<1x1x2048xf32, #tpu.memory_space<hbm>> -> memref<2048xf32, #tpu.memory_space<hbm>>
    %dma_wait3A_160 = arith.constant 0 : i32
    %dma_wait3A_161 = tpu.memref_slice %arg5[%dma_wait3A_153, %add3A_150, %dma_wait3A_160] : memref<4x2048x2048xf32, #tpu.memory_space<hbm>> -> memref<1x1x2048xf32, #tpu.memory_space<hbm>>
    %dma_wait3A_162 = tpu.memref_squeeze %dma_wait3A_161 : memref<1x1x2048xf32, #tpu.memory_space<hbm>> -> memref<2048xf32, #tpu.memory_space<hbm>>
    %dma_wait3A_163 = arith.constant 0 : i32
    %dma_wait3A_164 = tpu.memref_slice %arg7[%dma_wait3A_151, %dma_wait3A_152, %dma_wait3A_163] : memref<2x4x2048xf32, #tpu.memory_space<vmem>> -> memref<1x1x2048xf32, #tpu.memory_space<vmem>>
    %dma_wait3A_165 = tpu.memref_squeeze %dma_wait3A_164 : memref<1x1x2048xf32, #tpu.memory_space<vmem>> -> memref<2048xf32, #tpu.memory_space<vmem>>
    tpu.wait_dma2 semaphore(%arg11 : memref<!tpu.dma_semaphore, #tpu.memory_space<semaphore_mem>>) src(%dma_wait3A_165 : memref<2048xf32, #tpu.memory_space<vmem>>) dst(%dma_wait3A_162 : memref<2048xf32, #tpu.memory_space<hbm>>)
    return
  }
}

module attributes {stable_mosaic.version = 14 : i64} {
  func.func @_pack_kernel(%arg0: memref<4x2048x50xf32, #tpu.memory_space<vmem>>, %arg1: memref<50x6xf32, #tpu.memory_space<vmem>>, %arg2: memref<4x1x2048xi32, #tpu.memory_space<vmem>>, %arg3: memref<4x1x2048xi32, #tpu.memory_space<vmem>>) attributes {dimension_semantics = [], scalar_prefetch = 0 : i64, scratch_operands = 0 : i64, tpu.core_type = #tpu.core_type<tc>} {
    %get3A = arith.constant 0 : index
    %get3A_0 = arith.constant 0 : index
    %get3A_1 = vector.load %arg1[%get3A, %get3A_0] : memref<50x6xf32, #tpu.memory_space<vmem>>, vector<50x6xf32>
    %iota3A = tpu.iota {dimensions = array<i32: 0>} : vector<6x2xi32>
    %iota3A_2 = tpu.iota {dimensions = array<i32: 1>} : vector<6x2xi32>
    %eq3A = arith.constant 0 : i32
    %eq3A_3 = vector.broadcast %eq3A : i32 to vector<6x2xi32>
    %eq3A_4 = arith.cmpi eq, %iota3A_2, %eq3A_3 : vector<6x2xi32>
    %add3A = arith.constant 3 : i32
    %add3A_5 = vector.broadcast %add3A : i32 to vector<6x2xi32>
    %add3A_6 = arith.addi %iota3A, %add3A_5 : vector<6x2xi32>
    %jit3A = arith.constant 6 : i32
    %eq3A_7 = arith.constant 0 : i32
    %eq3A_8 = arith.cmpi eq, %jit3A, %eq3A_7 : i32
    %jit3A_9 = arith.constant 1 : i32
    %select_n3A = arith.select %eq3A_8, %jit3A_9, %jit3A : i32
    %rem3A = vector.broadcast %select_n3A : i32 to vector<6x2xi32>
    %rem3A_10 = arith.remsi %add3A_6, %rem3A : vector<6x2xi32>
    %ne3A = arith.constant 0 : i32
    %ne3A_11 = vector.broadcast %ne3A : i32 to vector<6x2xi32>
    %ne3A_12 = arith.cmpi ne, %rem3A_10, %ne3A_11 : vector<6x2xi32>
    %lt3A = arith.constant 0 : i32
    %lt3A_13 = vector.broadcast %lt3A : i32 to vector<6x2xi32>
    %lt3A_14 = arith.cmpi slt, %rem3A_10, %lt3A_13 : vector<6x2xi32>
    %lt3A_15 = arith.constant 0 : i32
    %lt3A_16 = arith.cmpi slt, %select_n3A, %lt3A_15 : i32
    %ne3A_17 = vector.broadcast %lt3A_16 : i1 to vector<6x2xi1>
    %ne3A_18 = vector.broadcast %ne3A_17 : vector<6x2xi1> to vector<6x2xi1>
    %ne3A_19 = arith.xori %lt3A_14, %ne3A_18 : vector<6x2xi1>
    %and3A = arith.andi %ne3A_19, %ne3A_12 : vector<6x2xi1>
    %add3A_20 = vector.broadcast %select_n3A : i32 to vector<6x2xi32>
    %add3A_21 = arith.addi %rem3A_10, %add3A_20 : vector<6x2xi32>
    %select_n3A_22 = arith.select %and3A, %add3A_21, %rem3A_10 : vector<6x2xi1>, vector<6x2xi32>
    %select_n3A_23 = arith.select %eq3A_4, %iota3A, %select_n3A_22 : vector<6x2xi1>, vector<6x2xi32>
    %shift_left3A = arith.constant 1 : i32
    %shift_left3A_24 = vector.broadcast %shift_left3A : i32 to vector<6x2xi32>
    %shift_left3A_25 = arith.shli %shift_left3A_24, %select_n3A_23 : vector<6x2xi32>
    %convert_element_type3A = arith.sitofp %shift_left3A_25 : vector<6x2xi32> to vector<6x2xf32>
    %get3A_26 = arith.constant 0 : index
    %get3A_27 = arith.constant 0 : index
    %get3A_28 = arith.constant 0 : index
    %get3A_29 = vector.load %arg0[%get3A_26, %get3A_27, %get3A_28] : memref<4x2048x50xf32, #tpu.memory_space<vmem>>, vector<1x2048x50xf32>
    %get3A_30 = vector.shape_cast %get3A_29 : vector<1x2048x50xf32> to vector<2048x50xf32>
    %dot_general3A = arith.constant dense<0.000000e+00> : vector<2048x6xf32>
    %dot_general3A_31 = tpu.matmul %get3A_30, %get3A_1, %dot_general3A {dimension_numbers = #tpu.dot_dimension_numbers<[1], [0], [0], [1], [0, 0, 1, 1], [], []>, transpose_lhs_hint = false} : vector<2048x50xf32>, vector<50x6xf32>, vector<2048x6xf32> -> vector<2048x6xf32>
    %gt3A = arith.constant 0.000000e+00 : f32
    %gt3A_32 = vector.broadcast %gt3A : f32 to vector<2048x6xf32>
    %gt3A_33 = arith.cmpf ogt, %dot_general3A_31, %gt3A_32 : vector<2048x6xf32>
    %convert_element_type3A_34 = arith.extui %gt3A_33 : vector<2048x6xi1> to vector<2048x6xi32>
    %convert_element_type3A_35 = arith.sitofp %convert_element_type3A_34 : vector<2048x6xi32> to vector<2048x6xf32>
    %dot_general3A_36 = arith.constant dense<0.000000e+00> : vector<2048x2xf32>
    %dot_general3A_37 = tpu.matmul %convert_element_type3A_35, %convert_element_type3A, %dot_general3A_36 {dimension_numbers = #tpu.dot_dimension_numbers<[1], [0], [0], [1], [0, 0, 1, 1], [], []>, transpose_lhs_hint = false} : vector<2048x6xf32>, vector<6x2xf32>, vector<2048x2xf32> -> vector<2048x2xf32>
    %convert_element_type3A_38 = arith.fptosi %dot_general3A_37 : vector<2048x2xf32> to vector<2048x2xi32>
    %slice3A = vector.extract_strided_slice %convert_element_type3A_38 {offsets = [0, 0], sizes = [2048, 1], strides = [1, 1]} : vector<2048x2xi32> to vector<2048x1xi32>
    %transpose3A = tpu.transpose %slice3A, [1, 0] : vector<2048x1xi32> -> vector<1x2048xi32>
    %swap3A = arith.constant 0 : index
    %swap3A_39 = arith.constant 0 : index
    %swap3A_40 = arith.constant 0 : index
    %swap3A_41 = vector.load %arg2[%swap3A, %swap3A_39, %swap3A_40] : memref<4x1x2048xi32, #tpu.memory_space<vmem>>, vector<1x1x2048xi32>
    %swap3A_42 = vector.shape_cast %swap3A_41 : vector<1x1x2048xi32> to vector<1x2048xi32>
    %swap3A_43 = vector.shape_cast %transpose3A : vector<1x2048xi32> to vector<1x1x2048xi32>
    tpu.vector_store %arg2[%swap3A, %swap3A_39, %swap3A_40], %swap3A_43 {strides = array<i32>} : memref<4x1x2048xi32, #tpu.memory_space<vmem>>, vector<1x1x2048xi32>,
    %slice3A_44 = vector.extract_strided_slice %convert_element_type3A_38 {offsets = [0, 1], sizes = [2048, 1], strides = [1, 1]} : vector<2048x2xi32> to vector<2048x1xi32>
    %transpose3A_45 = tpu.transpose %slice3A_44, [1, 0] : vector<2048x1xi32> -> vector<1x2048xi32>
    %swap3A_46 = arith.constant 0 : index
    %swap3A_47 = arith.constant 0 : index
    %swap3A_48 = arith.constant 0 : index
    %swap3A_49 = vector.load %arg3[%swap3A_46, %swap3A_47, %swap3A_48] : memref<4x1x2048xi32, #tpu.memory_space<vmem>>, vector<1x1x2048xi32>
    %swap3A_50 = vector.shape_cast %swap3A_49 : vector<1x1x2048xi32> to vector<1x2048xi32>
    %swap3A_51 = vector.shape_cast %transpose3A_45 : vector<1x2048xi32> to vector<1x1x2048xi32>
    tpu.vector_store %arg3[%swap3A_46, %swap3A_47, %swap3A_48], %swap3A_51 {strides = array<i32>} : memref<4x1x2048xi32, #tpu.memory_space<vmem>>, vector<1x1x2048xi32>,
    %get3A_52 = arith.constant 1 : index
    %get3A_53 = arith.constant 0 : index
    %get3A_54 = arith.constant 0 : index
    %get3A_55 = vector.load %arg0[%get3A_52, %get3A_53, %get3A_54] : memref<4x2048x50xf32, #tpu.memory_space<vmem>>, vector<1x2048x50xf32>
    %get3A_56 = vector.shape_cast %get3A_55 : vector<1x2048x50xf32> to vector<2048x50xf32>
    %dot_general3A_57 = arith.constant dense<0.000000e+00> : vector<2048x6xf32>
    %dot_general3A_58 = tpu.matmul %get3A_56, %get3A_1, %dot_general3A_57 {dimension_numbers = #tpu.dot_dimension_numbers<[1], [0], [0], [1], [0, 0, 1, 1], [], []>, transpose_lhs_hint = false} : vector<2048x50xf32>, vector<50x6xf32>, vector<2048x6xf32> -> vector<2048x6xf32>
    %gt3A_59 = arith.constant 0.000000e+00 : f32
    %gt3A_60 = vector.broadcast %gt3A_59 : f32 to vector<2048x6xf32>
    %gt3A_61 = arith.cmpf ogt, %dot_general3A_58, %gt3A_60 : vector<2048x6xf32>
    %convert_element_type3A_62 = arith.extui %gt3A_61 : vector<2048x6xi1> to vector<2048x6xi32>
    %convert_element_type3A_63 = arith.sitofp %convert_element_type3A_62 : vector<2048x6xi32> to vector<2048x6xf32>
    %dot_general3A_64 = arith.constant dense<0.000000e+00> : vector<2048x2xf32>
    %dot_general3A_65 = tpu.matmul %convert_element_type3A_63, %convert_element_type3A, %dot_general3A_64 {dimension_numbers = #tpu.dot_dimension_numbers<[1], [0], [0], [1], [0, 0, 1, 1], [], []>, transpose_lhs_hint = false} : vector<2048x6xf32>, vector<6x2xf32>, vector<2048x2xf32> -> vector<2048x2xf32>
    %convert_element_type3A_66 = arith.fptosi %dot_general3A_65 : vector<2048x2xf32> to vector<2048x2xi32>
    %slice3A_67 = vector.extract_strided_slice %convert_element_type3A_66 {offsets = [0, 0], sizes = [2048, 1], strides = [1, 1]} : vector<2048x2xi32> to vector<2048x1xi32>
    %transpose3A_68 = tpu.transpose %slice3A_67, [1, 0] : vector<2048x1xi32> -> vector<1x2048xi32>
    %swap3A_69 = arith.constant 1 : index
    %swap3A_70 = arith.constant 0 : index
    %swap3A_71 = arith.constant 0 : index
    %swap3A_72 = vector.load %arg2[%swap3A_69, %swap3A_70, %swap3A_71] : memref<4x1x2048xi32, #tpu.memory_space<vmem>>, vector<1x1x2048xi32>
    %swap3A_73 = vector.shape_cast %swap3A_72 : vector<1x1x2048xi32> to vector<1x2048xi32>
    %swap3A_74 = vector.shape_cast %transpose3A_68 : vector<1x2048xi32> to vector<1x1x2048xi32>
    tpu.vector_store %arg2[%swap3A_69, %swap3A_70, %swap3A_71], %swap3A_74 {strides = array<i32>} : memref<4x1x2048xi32, #tpu.memory_space<vmem>>, vector<1x1x2048xi32>,
    %slice3A_75 = vector.extract_strided_slice %convert_element_type3A_66 {offsets = [0, 1], sizes = [2048, 1], strides = [1, 1]} : vector<2048x2xi32> to vector<2048x1xi32>
    %transpose3A_76 = tpu.transpose %slice3A_75, [1, 0] : vector<2048x1xi32> -> vector<1x2048xi32>
    %swap3A_77 = arith.constant 1 : index
    %swap3A_78 = arith.constant 0 : index
    %swap3A_79 = arith.constant 0 : index
    %swap3A_80 = vector.load %arg3[%swap3A_77, %swap3A_78, %swap3A_79] : memref<4x1x2048xi32, #tpu.memory_space<vmem>>, vector<1x1x2048xi32>
    %swap3A_81 = vector.shape_cast %swap3A_80 : vector<1x1x2048xi32> to vector<1x2048xi32>
    %swap3A_82 = vector.shape_cast %transpose3A_76 : vector<1x2048xi32> to vector<1x1x2048xi32>
    tpu.vector_store %arg3[%swap3A_77, %swap3A_78, %swap3A_79], %swap3A_82 {strides = array<i32>} : memref<4x1x2048xi32, #tpu.memory_space<vmem>>, vector<1x1x2048xi32>,
    %get3A_83 = arith.constant 2 : index
    %get3A_84 = arith.constant 0 : index
    %get3A_85 = arith.constant 0 : index
    %get3A_86 = vector.load %arg0[%get3A_83, %get3A_84, %get3A_85] : memref<4x2048x50xf32, #tpu.memory_space<vmem>>, vector<1x2048x50xf32>
    %get3A_87 = vector.shape_cast %get3A_86 : vector<1x2048x50xf32> to vector<2048x50xf32>
    %dot_general3A_88 = arith.constant dense<0.000000e+00> : vector<2048x6xf32>
    %dot_general3A_89 = tpu.matmul %get3A_87, %get3A_1, %dot_general3A_88 {dimension_numbers = #tpu.dot_dimension_numbers<[1], [0], [0], [1], [0, 0, 1, 1], [], []>, transpose_lhs_hint = false} : vector<2048x50xf32>, vector<50x6xf32>, vector<2048x6xf32> -> vector<2048x6xf32>
    %gt3A_90 = arith.constant 0.000000e+00 : f32
    %gt3A_91 = vector.broadcast %gt3A_90 : f32 to vector<2048x6xf32>
    %gt3A_92 = arith.cmpf ogt, %dot_general3A_89, %gt3A_91 : vector<2048x6xf32>
    %convert_element_type3A_93 = arith.extui %gt3A_92 : vector<2048x6xi1> to vector<2048x6xi32>
    %convert_element_type3A_94 = arith.sitofp %convert_element_type3A_93 : vector<2048x6xi32> to vector<2048x6xf32>
    %dot_general3A_95 = arith.constant dense<0.000000e+00> : vector<2048x2xf32>
    %dot_general3A_96 = tpu.matmul %convert_element_type3A_94, %convert_element_type3A, %dot_general3A_95 {dimension_numbers = #tpu.dot_dimension_numbers<[1], [0], [0], [1], [0, 0, 1, 1], [], []>, transpose_lhs_hint = false} : vector<2048x6xf32>, vector<6x2xf32>, vector<2048x2xf32> -> vector<2048x2xf32>
    %convert_element_type3A_97 = arith.fptosi %dot_general3A_96 : vector<2048x2xf32> to vector<2048x2xi32>
    %slice3A_98 = vector.extract_strided_slice %convert_element_type3A_97 {offsets = [0, 0], sizes = [2048, 1], strides = [1, 1]} : vector<2048x2xi32> to vector<2048x1xi32>
    %transpose3A_99 = tpu.transpose %slice3A_98, [1, 0] : vector<2048x1xi32> -> vector<1x2048xi32>
    %swap3A_100 = arith.constant 2 : index
    %swap3A_101 = arith.constant 0 : index
    %swap3A_102 = arith.constant 0 : index
    %swap3A_103 = vector.load %arg2[%swap3A_100, %swap3A_101, %swap3A_102] : memref<4x1x2048xi32, #tpu.memory_space<vmem>>, vector<1x1x2048xi32>
    %swap3A_104 = vector.shape_cast %swap3A_103 : vector<1x1x2048xi32> to vector<1x2048xi32>
    %swap3A_105 = vector.shape_cast %transpose3A_99 : vector<1x2048xi32> to vector<1x1x2048xi32>
    tpu.vector_store %arg2[%swap3A_100, %swap3A_101, %swap3A_102], %swap3A_105 {strides = array<i32>} : memref<4x1x2048xi32, #tpu.memory_space<vmem>>, vector<1x1x2048xi32>,
    %slice3A_106 = vector.extract_strided_slice %convert_element_type3A_97 {offsets = [0, 1], sizes = [2048, 1], strides = [1, 1]} : vector<2048x2xi32> to vector<2048x1xi32>
    %transpose3A_107 = tpu.transpose %slice3A_106, [1, 0] : vector<2048x1xi32> -> vector<1x2048xi32>
    %swap3A_108 = arith.constant 2 : index
    %swap3A_109 = arith.constant 0 : index
    %swap3A_110 = arith.constant 0 : index
    %swap3A_111 = vector.load %arg3[%swap3A_108, %swap3A_109, %swap3A_110] : memref<4x1x2048xi32, #tpu.memory_space<vmem>>, vector<1x1x2048xi32>
    %swap3A_112 = vector.shape_cast %swap3A_111 : vector<1x1x2048xi32> to vector<1x2048xi32>
    %swap3A_113 = vector.shape_cast %transpose3A_107 : vector<1x2048xi32> to vector<1x1x2048xi32>
    tpu.vector_store %arg3[%swap3A_108, %swap3A_109, %swap3A_110], %swap3A_113 {strides = array<i32>} : memref<4x1x2048xi32, #tpu.memory_space<vmem>>, vector<1x1x2048xi32>,
    %get3A_114 = arith.constant 3 : index
    %get3A_115 = arith.constant 0 : index
    %get3A_116 = arith.constant 0 : index
    %get3A_117 = vector.load %arg0[%get3A_114, %get3A_115, %get3A_116] : memref<4x2048x50xf32, #tpu.memory_space<vmem>>, vector<1x2048x50xf32>
    %get3A_118 = vector.shape_cast %get3A_117 : vector<1x2048x50xf32> to vector<2048x50xf32>
    %dot_general3A_119 = arith.constant dense<0.000000e+00> : vector<2048x6xf32>
    %dot_general3A_120 = tpu.matmul %get3A_118, %get3A_1, %dot_general3A_119 {dimension_numbers = #tpu.dot_dimension_numbers<[1], [0], [0], [1], [0, 0, 1, 1], [], []>, transpose_lhs_hint = false} : vector<2048x50xf32>, vector<50x6xf32>, vector<2048x6xf32> -> vector<2048x6xf32>
    %gt3A_121 = arith.constant 0.000000e+00 : f32
    %gt3A_122 = vector.broadcast %gt3A_121 : f32 to vector<2048x6xf32>
    %gt3A_123 = arith.cmpf ogt, %dot_general3A_120, %gt3A_122 : vector<2048x6xf32>
    %convert_element_type3A_124 = arith.extui %gt3A_123 : vector<2048x6xi1> to vector<2048x6xi32>
    %convert_element_type3A_125 = arith.sitofp %convert_element_type3A_124 : vector<2048x6xi32> to vector<2048x6xf32>
    %dot_general3A_126 = arith.constant dense<0.000000e+00> : vector<2048x2xf32>
    %dot_general3A_127 = tpu.matmul %convert_element_type3A_125, %convert_element_type3A, %dot_general3A_126 {dimension_numbers = #tpu.dot_dimension_numbers<[1], [0], [0], [1], [0, 0, 1, 1], [], []>, transpose_lhs_hint = false} : vector<2048x6xf32>, vector<6x2xf32>, vector<2048x2xf32> -> vector<2048x2xf32>
    %convert_element_type3A_128 = arith.fptosi %dot_general3A_127 : vector<2048x2xf32> to vector<2048x2xi32>
    %slice3A_129 = vector.extract_strided_slice %convert_element_type3A_128 {offsets = [0, 0], sizes = [2048, 1], strides = [1, 1]} : vector<2048x2xi32> to vector<2048x1xi32>
    %transpose3A_130 = tpu.transpose %slice3A_129, [1, 0] : vector<2048x1xi32> -> vector<1x2048xi32>
    %swap3A_131 = arith.constant 3 : index
    %swap3A_132 = arith.constant 0 : index
    %swap3A_133 = arith.constant 0 : index
    %swap3A_134 = vector.load %arg2[%swap3A_131, %swap3A_132, %swap3A_133] : memref<4x1x2048xi32, #tpu.memory_space<vmem>>, vector<1x1x2048xi32>
    %swap3A_135 = vector.shape_cast %swap3A_134 : vector<1x1x2048xi32> to vector<1x2048xi32>
    %swap3A_136 = vector.shape_cast %transpose3A_130 : vector<1x2048xi32> to vector<1x1x2048xi32>
    tpu.vector_store %arg2[%swap3A_131, %swap3A_132, %swap3A_133], %swap3A_136 {strides = array<i32>} : memref<4x1x2048xi32, #tpu.memory_space<vmem>>, vector<1x1x2048xi32>,
    %slice3A_137 = vector.extract_strided_slice %convert_element_type3A_128 {offsets = [0, 1], sizes = [2048, 1], strides = [1, 1]} : vector<2048x2xi32> to vector<2048x1xi32>
    %transpose3A_138 = tpu.transpose %slice3A_137, [1, 0] : vector<2048x1xi32> -> vector<1x2048xi32>
    %swap3A_139 = arith.constant 3 : index
    %swap3A_140 = arith.constant 0 : index
    %swap3A_141 = arith.constant 0 : index
    %swap3A_142 = vector.load %arg3[%swap3A_139, %swap3A_140, %swap3A_141] : memref<4x1x2048xi32, #tpu.memory_space<vmem>>, vector<1x1x2048xi32>
    %swap3A_143 = vector.shape_cast %swap3A_142 : vector<1x1x2048xi32> to vector<1x2048xi32>
    %swap3A_144 = vector.shape_cast %transpose3A_138 : vector<1x2048xi32> to vector<1x1x2048xi32>
    tpu.vector_store %arg3[%swap3A_139, %swap3A_140, %swap3A_141], %swap3A_144 {strides = array<i32>} : memref<4x1x2048xi32, #tpu.memory_space<vmem>>, vector<1x1x2048xi32>,
    return
  }
}

</mosaic_0001>

<sc_bundles>
// kernel: kernel.4.cloned.1.call-start
scs
__scs_entry_jumppad:
0x0: {  	(pc) =	sbr.rel $0x88, $3  }
0x1: {  	(tag) =	ssettag $0x0;
	lr =	simm.s32 $0x1  }
0x2: {  	[smem:$0x3F9E] =	sst lr;
	_ =	strace $0xD0000000  }
0x3: {  	_ = 	snop  }
0x4: {  	_ = 	snop  }
0x5: {  	_ = 	snop  }
0x6: {  	_ = 	snop  }
0x7: {  	_ = 	snop  }
__scs_overlays_trampoline_lowered:
0x8: {  	[smem:$0x3FAD] =	sst s0  }
0x9: {  	[smem:$0x3FAE] =	sst s1  }
0xa: {  	[smem:$0x3FAF] =	sst s2  }
0xb: {  	[smem:$0x3FB0] =	sst s3  }
0xc: {  	[smem:$0x3FB1] =	sst s4  }
0xd: {  	[smem:$0x3FB2] =	sst s5  }
0xe: {  	[smem:$0x3FB3] =	sst s6  }
0xf: {  	[smem:$0x3FB4] =	sst s7  }
0x10: {  	[smem:$0x3FB5] =	sst s8  }
0x11: {  	[smem:$0x3FB6] =	sst s9;
	s0 =	simm.s32 @!p0 $0x0  }
0x12: {  	s1 =	sld [smem:$0x3F9C];
	s0 =	simm.s32 @p0 $0x1  }
0x13: {  	[smem:$0x3FB7] =	sst s0;
	s0 =	simm.s32 @!p1 $0x0  }
0x14: {  	s2 =	sld [smem:$0x3F9B];
	s0 =	simm.s32 @p1 $0x1  }
0x15: {  	[smem:$0x3FB8] =	sst s0;
	s0 =	simm.s32 @!p2 $0x0  }
0x16: {  	s3 =	sld [smem:$0x3FDB];
	s0 =	simm.s32 @p2 $0x1  }
0x17: {  	s4 =	simm.s32 $0x1BF5;
	[smem:$0x3FBA] =	sst s0  }
0x18: {  	s0 =	sld [smem:$0x3F9D];
	_ =	swait.ge [sflag:s4], $0x0  }
0x19: {  	s7 =	sld [smem:$0x3F9E]  }
0x1a: {  	s8 =	sadd.s32 $0xFFFFE003, lr  }
0x1b: {  	s9 =	sadd.s32 $0xFFFFFEF7, lr;
	s5 =	simm.s32 $0xFFFFFFFF;
	p2 =	slt.u32 s8, $0xFFFFF086  }
0x1c: {  	p1 =	slt.u32 s9, $0xF7A;
	s5 =	simm.s32 @!p2 $0x0  }
0x1d: {  	s5 =	simm.s32 @p1 $0x1;
	p0 =	seq.s32 s7, s2  }
0x1e: {  	s7 =	smul.u32 @!p0 $0xF7A, s2;
	p2 =	seq.s32 @!p0 s5, $0x0  }
0x1f: {  	s9 =	smul.u32 $0xF7A, s1;
	s8 =	simm.s32 @!p0 $0x1BF5;
	p2 =	por !p2, p0  }
0x20: {  	[sflag:s8] =	ssyncset.s32 @!p0 $0xFFFFF086;
	s6 =	sadd.s32 @!p0 s3, s7;
	s7 =	simm.s32 @!p0 $0x108  }
0x21: {  	s3 =	sadd.s32 s3, s9;
	s6 =	sadd.s32 @!p0 $0x88, s6;
	s7 =	simm.s32 @p2 $0x1082  }
0x22: {  	[simem:s7], [sflag:s8] =	dma.local @!p0 [hbm:s6], $0xF7A  }
0x23: {  	s9 =	sor.u32 $0xD0000000, s2;
	s6 =	simm.s32 $0x108;
	_ =	swait.ge @!p0 [sflag:s8], $0x0  }
0x24: {  	s3 =	sadd.s32 $0x88, s3;
	s6 =	simm.s32 @!p1 $0x1082;
	[sflag:s4] =	ssyncset.s32 $0xFFFFF086  }
0x25: {  	[simem:s6], [sflag:s4] =	dma.local [hbm:s3], $0xF7A  }
0x26: {  	[smem:$0x3F9E] =	sst s1;
	(tag) =	ssettag s2;
	_ =	strace s9  }
0x27: {  	s1 =	sld [smem:$0x3FAE]  }
0x28: {  	s2 =	sld [smem:$0x3FAF]  }
0x29: {  	s4 =	sld [smem:$0x3FB1]  }
0x2a: {  	p0 =	seq.s32 s5, $0x0;
	s5 =	sld [smem:$0x3FB2]  }
0x2b: {  	s6 =	sld [smem:$0x3FB3]  }
0x2c: {  	s7 =	sld [smem:$0x3FB4]  }
0x2d: {  	s3 =	simm.s32 $0x108;
	s8 =	sld [smem:$0x3FB5]  }
0x2e: {  	s3 =	simm.s32 @!p0 $0x1082;
	s9 =	sld [smem:$0x3FB6]  }
0x2f: {  	lr =	sadd.s32 s0, s3;
	s0 =	sld [smem:$0x3FAD]  }
0x30: {  	s3 =	sld [smem:$0x3FB0]  }
0x31: {  	[smem:$0x3FB9] =	sst s10  }
0x32: {  	s10 =	sld [smem:$0x3FB7];
	_ =	sdelay $0x3  }
0x33: {  	p0 =	seq.s32 s10, $0x1;
	s10 =	sld [smem:$0x3FB9];
	_ =	sdelay $0x3  }
0x34: {  	[smem:$0x3FB9] =	sst s10  }
0x35: {  	s10 =	sld [smem:$0x3FB8];
	_ =	sdelay $0x3  }
0x36: {  	p1 =	seq.s32 s10, $0x1;
	s10 =	sld [smem:$0x3FB9];
	_ =	sdelay $0x3  }
0x37: {  	[smem:$0x3FB9] =	sst s10  }
0x38: {  	s10 =	sld [smem:$0x3FBA]  }
0x39: {  	_ = 	snop;
	(pc) =	sbr.ind lr, $3  }
0x3a: {  	_ = 	snop  }
0x3b: {  	_ = 	snop  }
0x3c: {  	p2 =	seq.s32 s10, $0x1;
	s10 =	sld [smem:$0x3FB9]  }
0x3d: {  	_ =	shalt  }
0x3e: {  	_ =	shalt  }
0x3f: {  	_ =	shalt  }
0x40: {  	_ =	shalt  }
0x41: {  	_ =	shalt  }
0x42: {  	_ =	shalt  }
0x43: {  	_ =	shalt  }
0x44: {  	_ =	shalt  }
0x45: {  	_ =	shalt  }
0x46: {  	_ =	shalt  }
0x47: {  	_ =	shalt  }
0x48: {  	_ =	shalt  }
0x49: {  	_ =	shalt  }
0x4a: {  	_ =	shalt  }
0x4b: {  	_ =	shalt  }
0x4c: {  	_ =	shalt  }
0x4d: {  	_ =	shalt  }
0x4e: {  	_ =	shalt  }
0x4f: {  	_ =	shalt  }
0x50: {  	_ =	shalt  }
0x51: {  	_ =	shalt  }
0x52: {  	_ =	shalt  }
0x53: {  	_ =	shalt  }
0x54: {  	_ =	shalt  }
0x55: {  	_ =	shalt  }
0x56: {  	_ =	shalt  }
0x57: {  	_ =	shalt  }
0x58: {  	_ =	shalt  }
0x59: {  	_ =	shalt  }
0x5a: {  	_ =	shalt  }
0x5b: {  	_ =	shalt  }
0x5c: {  	_ =	shalt  }
0x5d: {  	_ =	shalt  }
0x5e: {  	_ =	shalt  }
0x5f: {  	_ =	shalt  }
0x60: {  	_ =	shalt  }
0x61: {  	_ =	shalt  }
0x62: {  	_ =	shalt  }
0x63: {  	_ =	shalt  }
0x64: {  	_ =	shalt  }
0x65: {  	_ =	shalt  }
0x66: {  	_ =	shalt  }
0x67: {  	_ =	shalt  }
0x68: {  	_ =	shalt  }
0x69: {  	_ =	shalt  }
0x6a: {  	_ =	shalt  }
0x6b: {  	_ =	shalt  }
0x6c: {  	_ =	shalt  }
0x6d: {  	_ =	shalt  }
0x6e: {  	_ =	shalt  }
0x6f: {  	_ =	shalt  }
0x70: {  	_ =	shalt  }
0x71: {  	_ =	shalt  }
0x72: {  	_ =	shalt  }
0x73: {  	_ =	shalt  }
0x74: {  	_ =	shalt  }
0x75: {  	_ =	shalt  }
0x76: {  	_ =	shalt  }
0x77: {  	_ =	shalt  }
0x78: {  	_ =	shalt  }
0x79: {  	_ =	shalt  }
0x7a: {  	_ =	shalt  }
0x7b: {  	_ =	shalt  }
0x7c: {  	_ =	shalt  }
0x7d: {  	_ =	shalt  }
0x7e: {  	_ =	shalt  }
0x7f: {  	_ =	shalt  }
0x80: {  	_ =	shalt  }
0x81: {  	_ =	shalt  }
0x82: {  	_ =	shalt  }
0x83: {  	_ =	shalt  }
0x84: {  	_ =	shalt  }
0x85: {  	_ =	shalt  }
0x86: {  	_ =	shalt  }
0x87: {  	_ =	shalt  }
.Lfunc_end0:
.L_simem_size_0:
called_computation_lowered:
.L_overlay_start_0:
0x88: {  	s2 =	sld [smem:$0x3FD9]  }
0x89: {  	s3 =	sld [smem:$0x3FFE];
	_ =	sdelay $0x1  }
0x8a: {  	s1 =	srdreg.scid  }
0x8b: {  	s0 =	sand.u32 $0x1, s1  }
0x8c: {  	s17 =	sshll.u32 s0, $0xA;
	s2 =	sadd.s32 s3, s2  }
0x8d: {  	s2 =	sadd.s32 s2, s17  }
0x8e: {  	[smem:$0x3FC5] =	sst s2  }
0x8f: {  	_ = 	snop  }
0x90: {  	s2 =	sld [smem:$0x3FC8]  }
0x91: {  	s18 =	sld [smem:$0x3FD0];
	(tm) =	ssettm $0x1  }
0x92: {  	s4 =	sld [smem:$0x3FFB];
	_ =	sdelay $0x3  }
0x93: {  	_ =	strace s4  }
0x94: {  	s4 =	sld [smem:$0x3FFC];
	_ =	sdelay $0x3  }
0x95: {  	_ =	strace s4  }
0x96: {  	s4 =	sld [smem:$0x3FFD];
	_ =	sdelay $0x3  }
0x97: {  	_ =	strace s4  }
0x98: {  	_ =	strace $0x8FFFFFFF  }
0x99: {  	s19 =	sld [smem:$0x3FDB];
	_ =	sdelay $0x1  }
0x9a: {  	s5 =	simm.s32 $_scs_section_size  }
0x9b: {  	s6 =	simm.s32 $_size__tile_overlayer_lowered;
	s7 =	simm.s32 $_tile_overlayer_lowered  }
0x9c: {  	s22 =	simm.s32 $0x1BFF;
	s21 =	sshll.u32 s7, $0x1;
	s4 =	sadd.s32 s5, s19  }
0x9d: {  	s8 =	simm.s32 $0x0;
	s20 =	sshll.u32 s6, $0x1;
	s6 =	sadd.s32 s21, s4  }
0x9e: {  	[timem:s8], [sflag:s22] =	dma.local [hbm:s6], s20  }
0x9f: {  	_ =	swait.ge [sflag:s22], s20  }
0xa0: {  	s5 =	ssub.s32 $0x0, s20;
	[sflag:s22] =	ssyncset.done $0x0  }
0xa1: {  	[sflag:s22] =	ssyncadd.s32 s5;
	_ =	sdelay $0x1  }
0xa2: {  	s23 =	simm.s32 $0x1B8B  }
0xa3: {  	_ =	swait.ge [sflag:s23], $0x1  }
0xa4: {  	[sflag:s23] =	ssyncset.done $0x0  }
0xa5: {  	s25 =	simm.s32 $0x1B8E;
	s24 =	sld [smem:$0x3FFE];
	[sflag:s23] =	ssyncadd.s32 $0xFFFFFFFF  }
0xa6: {  	s26 =	simm.s32 $execute0_lowered;
	[smem:$0x3FD2] =	sst s25  }
0xa7: {  	s6 =	sshll.u32 s26, $0x1;
	_ =	strace $0x80000046;
	[dreg:$0x1] =	wrdreg $0xFFFFFFFF  }
0xa8: {  	s28 =	simm.s32 $_size_execute0_lowered;
	s4 =	sadd.s32 s4, s6;
	[dreg:$0x0] =	wrdreg $0x0  }
0xa9: {  	s6 =	sshll.u32 s28, $0x1;
	[dreg:$0x2] =	wrdreg s4  }
0xaa: {  	[dreg:$0x3] =	wrdreg s6  }
0xab: {  	[dreg:$0x4] =	wrdreg $0xC0  }
0xac: {  	_ =	task [dreg:s8], $0x5FFFF  }
0xad: {  	[dreg:$0x1] =	wrdreg $0xFFFFFFFF  }
0xae: {  	[dreg:$0x0] =	wrdreg $0x60  }
0xaf: {  	[dreg:$0x2] =	wrdreg s2  }
0xb0: {  	[dreg:$0x3] =	wrdreg s24  }
0xb1: {  	[dreg:$0x4] =	wrdreg s18  }
0xb2: {  	[dreg:$0x5] =	wrdreg $0x9  }
0xb3: {  	_ =	task.clear_ibuf [dreg:s8], $0x6FFFF;
	_ =	strace $0x90000046  }
0xb4: {  	s29 =	simm.s32 $0x9;
	_ =	strace $0x80000048  }
0xb5: {  	_ =	swait.ge [sflag:s29], $0x1  }
0xb6: {  	[sflag:s29] =	ssyncadd.s32 $0xFFFFFFFF  }
0xb7: {  	_ =	strace $0x90000048  }
0xb8: {  	_ =	sfence  }
0xb9: {  	s30 =	sld [smem:$0x0];
	_ =	sdelay $0x2  }
0xba: {  	s31 =	sshll.u32 s1, $0xD;
	s1 =	sshrl.u32 s1, $0x2  }
0xbb: {  	s3 =	sand.u32 $0x4000, s31;
	s1 =	sadd.s32 s1, s30  }
0xbc: {  	s0 =	sor.u32 s3, s0;
	s1 =	sshll.u32 s1, $0x11  }
0xbd: {  	s0 =	sor.u32 s1, s0  }
0xbe: {  	s0 =	sadd.s32 $0x8F2B, s0  }
0xbf: {  	[sflag:s0] =	ssyncadd.remote.s32 $0x1  }
0xc0: {  	_ =	sfence.sel $0xFFFF  }
0xc1: {  	[dreg:$0x0] =	wrdreg $0xFFFFFFFF;
	(pc) =	sbr.abs _section_cstart, $3  }
0xc2: {  	[dreg:$0x1] =	wrdreg $0xFFFFFFFF  }
0xc3: {  	_ =	task.clear_ibuf [dreg:s8], $0x2FFFF;
	_ =	strace $0x9FFFFFFF  }
0xc4: {  	(tm) =	ssettm $0x7FFFFFFF  }
0xc5: {  	_ =	shalt  }
tec
execute0_lowered:
.L_overlay_start_1:
0x0: {  	(tag) =	ssettag $0x1  }
0x1: {  	s1 =	rddreg [dreg:$0x0]  }
0x2: {  	s0 =	rddreg [dreg:$0x1]  }
0x3: {  	s3 =	rddreg [dreg:$0x2];
	s4 =	simm.s32 $0x0  }
0x4: {  	[smem:$0x7FF] =	sst s4;
	s7 =	sadd.s32 $0xE00, s0  }
0x5: {  	s14 =	sadd.s32 $0xE10, s0;
	_ =	strace $0x80000047;
	[dreg:$0x4] =	wrdreg s7  }
0x6: {  	s15 =	sadd.s32 $0xE20, s0;
	[dreg:$0xa] =	wrdreg s14  }
0x7: {  	s16 =	sadd.s32 $0xE30, s0;
	[dreg:$0xb] =	wrdreg s15  }
0x8: {  	s2 =	srdreg.scid;
	s17 =	sadd.s32 $0xE40, s0;
	[dreg:$0xc] =	wrdreg s16  }
0x9: {  	s5 =	stileid.u32;
	s18 =	sadd.s32 $0xE50, s0;
	[dreg:$0xd] =	wrdreg s17  }
0xa: {  	s8 =	simm.s32 $0x2;
	s19 =	sadd.s32 $0xE60, s0;
	[dreg:$0xe] =	wrdreg s18  }
0xb: {  	s2 =	sand.u32 $0x1, s2;
	s20 =	sadd.s32 $0xE70, s0;
	[dreg:$0xf] =	wrdreg s19  }
0xc: {  	s5 =	sshll.u32 s5, $0x7;
	s21 =	sadd.s32 $0xE80, s0;
	[dreg:$0x10] =	wrdreg s20  }
0xd: {  	s22 =	sadd.s32 $0xE90, s0;
	s23 =	sadd.s32 $0xEA0, s0;
	[dreg:$0x11] =	wrdreg s21  }
0xe: {  	s24 =	sadd.s32 $0xEB0, s0;
	s25 =	sadd.s32 $0xEC0, s0;
	[dreg:$0x12] =	wrdreg s22  }
0xf: {  	s26 =	sadd.s32 $0xED0, s0;
	s28 =	sadd.s32 $0xEE0, s0;
	[dreg:$0x13] =	wrdreg s23  }
0x10: {  	s6 =	sshll.u32 s2, $0x6;
	s2 =	ssub.s32 $0x2, s2;
	[dreg:$0x14] =	wrdreg s24  }
0x11: {  	s29 =	sadd.s32 $0x80000, s3;
	[dreg:$0x15] =	wrdreg s25;
	s9 =	sshrl.u32 s2, $0x1  }
0x12: {  	[dreg:$0x16] =	wrdreg s26;
	s5 =	sor.u32 s6, s5;
	s2 =	ssub.s32 s2, s9  }
0x13: {  	[dreg:$0x17] =	wrdreg s28;
	s6 =	sshrl.u32 s5, $0x3;
	s2 =	smax.u32 s2, $0x1  }
0x14: {  	s6 =	sadd.s32 s6, s0;
	s0 =	sadd.s32 $0xEF0, s0;
	[dreg:$0x9] =	wrdreg s2  }
0x15: {  	s30 =	sadd.s32 $0x100000, s3;
	s10 =	sadd.s32 $0xA00, s6;
	[dreg:$0x18] =	wrdreg s0  }
0x16: {  	s31 =	sadd.s32 $0x180000, s3;
	s11 =	sadd.s32 $0xB00, s6;
	[dreg:$0x5] =	wrdreg s10  }
0x17: {  	s7 =	simm.s32 $0x1;
	s12 =	sadd.s32 $0xC00, s6;
	[dreg:$0x6] =	wrdreg s11  }
0x18: {  	s13 =	sshll.u32 s5, $0x8;
	s6 =	sadd.s32 $0xD00, s6;
	[dreg:$0x7] =	wrdreg s12  }
0x19: {  	s0 =	simm.s32 $0x80;
	s2 =	simm.s32 $0x800;
	[dreg:$0x8] =	wrdreg s6  }
0x1a: {  	s11 =	sadd.s32 s1, s13;
	s6 =	simm.s32 $0x3;
	s10 =	simm.s32 $0x0  }
.LBB2_1:
0x1b: {  	[dreg:$0x19] =	wrdreg s10  }
0x1c: {  	s9 =	rddreg [dreg:$0x4];
	s25 =	simm.s32 $0x5000  }
0x1d: {  	[tilespmem:s25], [sflag:$0x3] =	stream.strided.gather [hbm4b:s9+s0], $0x200, s2, s0, $0x38;
	[tilespmem:$0x7100] =	vst v63  }
0x1e: {  	s26 =	rddreg [dreg:$0xa];
	s28 =	simm.s32 $0x5200  }
0x1f: {  	[tilespmem:s28], [sflag:$0x3] =	stream.strided.gather [hbm4b:s26+s0], $0x200, s2, s0, $0x38;
	[tilespmem:$0x7100] =	vst v63  }
0x20: {  	s12 =	rddreg [dreg:$0xb];
	s13 =	simm.s32 $0x5400  }
0x21: {  	[tilespmem:s13], [sflag:$0x3] =	stream.strided.gather [hbm4b:s12+s0], $0x200, s2, s0, $0x38;
	[tilespmem:$0x7100] =	vst v63  }
0x22: {  	s14 =	rddreg [dreg:$0xc];
	s15 =	simm.s32 $0x5600  }
0x23: {  	[tilespmem:s15], [sflag:$0x3] =	stream.strided.gather [hbm4b:s14+s0], $0x200, s2, s0, $0x38;
	[tilespmem:$0x7100] =	vst v63  }
0x24: {  	s16 =	rddreg [dreg:$0xd];
	s17 =	simm.s32 $0x5800  }
0x25: {  	[tilespmem:s17], [sflag:$0x3] =	stream.strided.gather [hbm4b:s16+s0], $0x200, s2, s0, $0x38;
	[tilespmem:$0x7100] =	vst v63  }
0x26: {  	s18 =	rddreg [dreg:$0xe];
	s19 =	simm.s32 $0x5A00  }
0x27: {  	[tilespmem:s19], [sflag:$0x3] =	stream.strided.gather [hbm4b:s18+s0], $0x200, s2, s0, $0x38;
	[tilespmem:$0x7100] =	vst v63  }
0x28: {  	s20 =	rddreg [dreg:$0xf];
	s21 =	simm.s32 $0x5C00  }
0x29: {  	[tilespmem:s21], [sflag:$0x3] =	stream.strided.gather [hbm4b:s20+s0], $0x200, s2, s0, $0x38;
	[tilespmem:$0x7100] =	vst v63  }
0x2a: {  	s22 =	rddreg [dreg:$0x10];
	s23 =	simm.s32 $0x5E00  }
0x2b: {  	[tilespmem:s23], [sflag:$0x3] =	stream.strided.gather [hbm4b:s22+s0], $0x200, s2, s0, $0x38;
	[tilespmem:$0x7100] =	vst v63  }
0x2c: {  	s24 =	rddreg [dreg:$0x11];
	s25 =	simm.s32 $0x6000  }
0x2d: {  	[tilespmem:s25], [sflag:$0x3] =	stream.strided.gather [hbm4b:s24+s0], $0x200, s2, s0, $0x38;
	[tilespmem:$0x7100] =	vst v63  }
0x2e: {  	s26 =	rddreg [dreg:$0x12];
	s28 =	simm.s32 $0x6200  }
0x2f: {  	[tilespmem:s28], [sflag:$0x3] =	stream.strided.gather [hbm4b:s26+s0], $0x200, s2, s0, $0x38;
	[tilespmem:$0x7100] =	vst v63  }
0x30: {  	s12 =	rddreg [dreg:$0x13];
	s13 =	simm.s32 $0x6400  }
0x31: {  	[tilespmem:s13], [sflag:$0x3] =	stream.strided.gather [hbm4b:s12+s0], $0x200, s2, s0, $0x38;
	[tilespmem:$0x7100] =	vst v63  }
0x32: {  	s14 =	rddreg [dreg:$0x14];
	s15 =	simm.s32 $0x6600  }
0x33: {  	[tilespmem:s15], [sflag:$0x3] =	stream.strided.gather [hbm4b:s14+s0], $0x200, s2, s0, $0x38;
	[tilespmem:$0x7100] =	vst v63  }
0x34: {  	s16 =	rddreg [dreg:$0x15];
	s17 =	simm.s32 $0x6800  }
0x35: {  	[tilespmem:s17], [sflag:$0x3] =	stream.strided.gather [hbm4b:s16+s0], $0x200, s2, s0, $0x38;
	[tilespmem:$0x7100] =	vst v63  }
0x36: {  	s18 =	rddreg [dreg:$0x16];
	s19 =	simm.s32 $0x6A00  }
0x37: {  	[tilespmem:s19], [sflag:$0x3] =	stream.strided.gather [hbm4b:s18+s0], $0x200, s2, s0, $0x38;
	[tilespmem:$0x7100] =	vst v63  }
0x38: {  	s20 =	rddreg [dreg:$0x17];
	s21 =	simm.s32 $0x6C00  }
0x39: {  	[tilespmem:s21], [sflag:$0x3] =	stream.strided.gather [hbm4b:s20+s0], $0x200, s2, s0, $0x38;
	[tilespmem:$0x7100] =	vst v63  }
0x3a: {  	s22 =	rddreg [dreg:$0x18];
	s23 =	simm.s32 $0x6E00  }
0x3b: {  	[tilespmem:s23], [sflag:$0x3] =	stream.strided.gather [hbm4b:s22+s0], $0x200, s2, s0, $0x38;
	[tilespmem:$0x7100] =	vst v63  }
0x3c: {  	_ =	swait.ge [sflag:s6], $0x2000  }
0x3d: {  	[sflag:s6] =	ssyncset.done $0x0  }
0x3e: {  	s25 =	simm.s32 $0x7000;
	s24 =	rddreg [dreg:$0x5];
	[sflag:s6] =	ssyncadd.s32 $0xFFFFE000  }
0x3f: {  	[tilespmem:s25], [sflag:$0x3] =	stream.linear.gather [hbm4b:s24+s4], $0x40, $0x38;
	[tilespmem:$0x7100] =	vst v63  }
0x40: {  	_ =	swait.ge [sflag:s6], $0x40  }
0x41: {  	[sflag:s6] =	ssyncset.done $0x0  }
0x42: {  	s28 =	simm.s32 $0x7040;
	s26 =	rddreg [dreg:$0x6];
	[sflag:s6] =	ssyncadd.s32 $0xFFFFFFC0  }
0x43: {  	[tilespmem:s28], [sflag:$0x3] =	stream.linear.gather [hbm4b:s26+s4], $0x40, $0x38;
	[tilespmem:$0x7100] =	vst v63  }
0x44: {  	_ =	swait.ge [sflag:s6], $0x40  }
0x45: {  	[sflag:s6] =	ssyncset.done $0x0  }
0x46: {  	s13 =	simm.s32 $0x7080;
	s12 =	rddreg [dreg:$0x7];
	[sflag:s6] =	ssyncadd.s32 $0xFFFFFFC0  }
0x47: {  	[tilespmem:s13], [sflag:$0x3] =	stream.linear.gather [hbm4b:s12+s4], $0x40, $0x38;
	[tilespmem:$0x7100] =	vst v63  }
0x48: {  	_ =	swait.ge [sflag:s6], $0x40  }
0x49: {  	[sflag:s6] =	ssyncset.done $0x0  }
0x4a: {  	s15 =	simm.s32 $0x70C0;
	s14 =	rddreg [dreg:$0x8];
	[sflag:s6] =	ssyncadd.s32 $0xFFFFFFC0  }
0x4b: {  	[tilespmem:s15], [sflag:$0x3] =	stream.linear.gather [hbm4b:s14+s4], $0x40, $0x38;
	[tilespmem:$0x7100] =	vst v63  }
0x4c: {  	_ =	swait.ge [sflag:s6], $0x40  }
0x4d: {  	[sflag:s6] =	ssyncset.done $0x0  }
0x4e: {  	[sflag:s6] =	ssyncadd.s32 $0xFFFFFFC0  }
0x4f: {  	[tilespmem:s4], [sflag:$0x1] =	stream.linear.gather [hbm4b:s11+s4], $0x80, $0x38;
	[tilespmem:$0x7100] =	vst v63  }
0x50: {  	s16 =	sadd.s32 $0x80, s11;
	s17 =	simm.s32 $0x100  }
0x51: {  	[tilespmem:s17], [sflag:$0x1] =	stream.linear.gather [hbm4b:s16+s4], $0x80, $0x38;
	[tilespmem:$0x7100] =	vst v63  }
0x52: {  	s18 =	sadd.s32 $0x100, s11;
	s19 =	simm.s32 $0x200  }
0x53: {  	[tilespmem:s19], [sflag:$0x1] =	stream.linear.gather [hbm4b:s18+s4], $0x80, $0x38;
	[tilespmem:$0x7100] =	vst v63  }
0x54: {  	s20 =	sadd.s32 $0x180, s11;
	s21 =	simm.s32 $0x300  }
0x55: {  	[tilespmem:s21], [sflag:$0x1] =	stream.linear.gather [hbm4b:s20+s4], $0x80, $0x38;
	[tilespmem:$0x7100] =	vst v63  }
0x56: {  	s22 =	sadd.s32 $0x200, s11;
	s23 =	simm.s32 $0x400  }
0x57: {  	[tilespmem:s23], [sflag:$0x1] =	stream.linear.gather [hbm4b:s22+s4], $0x80, $0x38;
	[tilespmem:$0x7100] =	vst v63  }
0x58: {  	s24 =	sadd.s32 $0x280, s11;
	s25 =	simm.s32 $0x500  }
0x59: {  	[tilespmem:s25], [sflag:$0x1] =	stream.linear.gather [hbm4b:s24+s4], $0x80, $0x38;
	[tilespmem:$0x7100] =	vst v63  }
0x5a: {  	s26 =	sadd.s32 $0x300, s11;
	s28 =	simm.s32 $0x600  }
0x5b: {  	[tilespmem:s28], [sflag:$0x1] =	stream.linear.gather [hbm4b:s26+s4], $0x80, $0x38;
	[tilespmem:$0x7100] =	vst v63  }
0x5c: {  	s9 =	sadd.s32 $0x380, s11;
	s12 =	simm.s32 $0x700  }
0x5d: {  	[tilespmem:s12], [sflag:$0x1] =	stream.linear.gather [hbm4b:s9+s4], $0x80, $0x38;
	[tilespmem:$0x7100] =	vst v63  }
0x5e: {  	s13 =	sadd.s32 $0x400, s11  }
0x5f: {  	[tilespmem:s2], [sflag:$0x1] =	stream.linear.gather [hbm4b:s13+s4], $0x80, $0x38;
	[tilespmem:$0x7100] =	vst v63  }
0x60: {  	s14 =	sadd.s32 $0x480, s11;
	s15 =	simm.s32 $0x900  }
0x61: {  	[tilespmem:s15], [sflag:$0x1] =	stream.linear.gather [hbm4b:s14+s4], $0x80, $0x38;
	[tilespmem:$0x7100] =	vst v63  }
0x62: {  	s16 =	sadd.s32 $0x500, s11;
	s17 =	simm.s32 $0xA00  }
0x63: {  	[tilespmem:s17], [sflag:$0x1] =	stream.linear.gather [hbm4b:s16+s4], $0x80, $0x38;
	[tilespmem:$0x7100] =	vst v63  }
0x64: {  	s18 =	sadd.s32 $0x580, s11;
	s19 =	simm.s32 $0xB00  }
0x65: {  	[tilespmem:s19], [sflag:$0x1] =	stream.linear.gather [hbm4b:s18+s4], $0x80, $0x38;
	[tilespmem:$0x7100] =	vst v63  }
0x66: {  	s20 =	sadd.s32 $0x600, s11;
	s21 =	simm.s32 $0xC00  }
0x67: {  	[tilespmem:s21], [sflag:$0x1] =	stream.linear.gather [hbm4b:s20+s4], $0x80, $0x38;
	[tilespmem:$0x7100] =	vst v63  }
0x68: {  	s22 =	sadd.s32 $0x680, s11;
	s23 =	simm.s32 $0xD00  }
0x69: {  	[tilespmem:s23], [sflag:$0x1] =	stream.linear.gather [hbm4b:s22+s4], $0x80, $0x38;
	[tilespmem:$0x7100] =	vst v63  }
0x6a: {  	s24 =	sadd.s32 $0x700, s11;
	s25 =	simm.s32 $0xE00  }
0x6b: {  	[tilespmem:s25], [sflag:$0x1] =	stream.linear.gather [hbm4b:s24+s4], $0x80, $0x38;
	[tilespmem:$0x7100] =	vst v63  }
0x6c: {  	s10 =	simm.s32 $0x0;
	s26 =	sadd.s32 $0x780, s11;
	s28 =	simm.s32 $0xF00  }
0x6d: {  	[tilespmem:s28], [sflag:$0x1] =	stream.linear.gather [hbm4b:s26+s4], $0x80, $0x38;
	[tilespmem:$0x7100] =	vst v63  }
.LBB2_2:
0x6e: {  	s13 =	smov.u32 s10  }
0x6f: {  	s10 =	sadd.s32 $0x1, s10;
	p0 =	seq.s32 s13, $0x3F  }
0x70: {  	s12 =	sadd.s32 @!p0 s5, s10;
	s14 =	sshll.u32 @!p0 s10, $0x4  }
0x71: {  	s12 =	sshll.u32 @!p0 s12, $0x8;
	s14 =	sand.u32 @!p0 $0x70, s14  }
0x72: {  	s15 =	sshll.u32 @!p0 s10, $0x7;
	s12 =	sand.u32 @!p0 $0xFF800, s12;
	s14 =	sadd.s32 @!p0 s1, s14  }
0x73: {  	s15 =	sand.u32 @!p0 $0x80, s15;
	s12 =	sadd.s32 @!p0 s12, s14;
	s14 =	simm.s32 @!p0 $0x0  }
0x74: {  	[tilespmem:s15], [sflag:$0x1] =	stream.linear.gather @!p0 [hbm4b:s12+s14], $0x80, $0x38;
	[tilespmem:$0x7100] =	vst v63  }
0x75: {  	s17 =	sor.u32 @!p0 $0x100, s15;
	s16 =	sadd.s32 @!p0 $0x80, s12  }
0x76: {  	[tilespmem:s17], [sflag:$0x1] =	stream.linear.gather @!p0 [hbm4b:s16+s14], $0x80, $0x38;
	[tilespmem:$0x7100] =	vst v63  }
0x77: {  	s16 =	sadd.s32 @!p0 $0x100, s12;
	s17 =	sor.u32 @!p0 $0x200, s15  }
0x78: {  	[tilespmem:s17], [sflag:$0x1] =	stream.linear.gather @!p0 [hbm4b:s16+s14], $0x80, $0x38;
	[tilespmem:$0x7100] =	vst v63  }
0x79: {  	s16 =	sadd.s32 @!p0 $0x180, s12;
	s17 =	sor.u32 @!p0 $0x300, s15  }
0x7a: {  	[tilespmem:s17], [sflag:$0x1] =	stream.linear.gather @!p0 [hbm4b:s16+s14], $0x80, $0x38;
	[tilespmem:$0x7100] =	vst v63  }
0x7b: {  	s16 =	sadd.s32 @!p0 $0x200, s12;
	s17 =	sor.u32 @!p0 $0x400, s15  }
0x7c: {  	[tilespmem:s17], [sflag:$0x1] =	stream.linear.gather @!p0 [hbm4b:s16+s14], $0x80, $0x38;
	[tilespmem:$0x7100] =	vst v63  }
0x7d: {  	s16 =	sadd.s32 @!p0 $0x280, s12;
	s17 =	sor.u32 @!p0 $0x500, s15  }
0x7e: {  	[tilespmem:s17], [sflag:$0x1] =	stream.linear.gather @!p0 [hbm4b:s16+s14], $0x80, $0x38;
	[tilespmem:$0x7100] =	vst v63  }
0x7f: {  	s16 =	sadd.s32 @!p0 $0x300, s12;
	s17 =	sor.u32 @!p0 $0x600, s15  }
0x80: {  	[tilespmem:s17], [sflag:$0x1] =	stream.linear.gather @!p0 [hbm4b:s16+s14], $0x80, $0x38;
	[tilespmem:$0x7100] =	vst v63  }
0x81: {  	s16 =	sadd.s32 @!p0 $0x380, s12;
	s17 =	sor.u32 @!p0 $0x700, s15  }
0x82: {  	[tilespmem:s17], [sflag:$0x1] =	stream.linear.gather @!p0 [hbm4b:s16+s14], $0x80, $0x38;
	[tilespmem:$0x7100] =	vst v63  }
0x83: {  	s16 =	sadd.s32 @!p0 $0x400, s12;
	s17 =	sor.u32 @!p0 $0x800, s15  }
0x84: {  	[tilespmem:s17], [sflag:$0x1] =	stream.linear.gather @!p0 [hbm4b:s16+s14], $0x80, $0x38;
	[tilespmem:$0x7100] =	vst v63  }
0x85: {  	s16 =	sadd.s32 @!p0 $0x480, s12;
	s17 =	sor.u32 @!p0 $0x900, s15  }
0x86: {  	[tilespmem:s17], [sflag:$0x1] =	stream.linear.gather @!p0 [hbm4b:s16+s14], $0x80, $0x38;
	[tilespmem:$0x7100] =	vst v63  }
0x87: {  	s16 =	sadd.s32 @!p0 $0x500, s12;
	s17 =	sor.u32 @!p0 $0xA00, s15  }
0x88: {  	[tilespmem:s17], [sflag:$0x1] =	stream.linear.gather @!p0 [hbm4b:s16+s14], $0x80, $0x38;
	[tilespmem:$0x7100] =	vst v63  }
0x89: {  	s16 =	sadd.s32 @!p0 $0x580, s12;
	s17 =	sor.u32 @!p0 $0xB00, s15  }
0x8a: {  	[tilespmem:s17], [sflag:$0x1] =	stream.linear.gather @!p0 [hbm4b:s16+s14], $0x80, $0x38;
	[tilespmem:$0x7100] =	vst v63  }
0x8b: {  	s16 =	sadd.s32 @!p0 $0x600, s12;
	s17 =	sor.u32 @!p0 $0xC00, s15  }
0x8c: {  	[tilespmem:s17], [sflag:$0x1] =	stream.linear.gather @!p0 [hbm4b:s16+s14], $0x80, $0x38;
	[tilespmem:$0x7100] =	vst v63  }
0x8d: {  	s16 =	sadd.s32 @!p0 $0x680, s12;
	s17 =	sor.u32 @!p0 $0xD00, s15  }
0x8e: {  	[tilespmem:s17], [sflag:$0x1] =	stream.linear.gather @!p0 [hbm4b:s16+s14], $0x80, $0x38;
	[tilespmem:$0x7100] =	vst v63  }
0x8f: {  	s16 =	sadd.s32 @!p0 $0x700, s12;
	s17 =	sor.u32 @!p0 $0xE00, s15  }
0x90: {  	[tilespmem:s17], [sflag:$0x1] =	stream.linear.gather @!p0 [hbm4b:s16+s14], $0x80, $0x38;
	[tilespmem:$0x7100] =	vst v63  }
0x91: {  	s12 =	sadd.s32 @!p0 $0x780, s12;
	s15 =	sor.u32 @!p0 $0xF00, s15  }
0x92: {  	[tilespmem:s15], [sflag:$0x1] =	stream.linear.gather @!p0 [hbm4b:s12+s14], $0x80, $0x38;
	[tilespmem:$0x7100] =	vst v63  }
0x93: {  	_ =	swait.ge [sflag:s7], $0x800  }
0x94: {  	p0 =	slt.u32 s13, $0x2;
	[sflag:s7] =	ssyncset.done $0x0  }
0x95: {  	s12 =	simm.s32 @!p0 $0x2;
	[sflag:s7] =	ssyncadd.s32 $0xFFFFF800  }
0x96: {  	_ =	swait.ge @!p0 [sflag:s12], $0x800  }
0x97: {  	[sflag:s12] =	ssyncset.done @!p0 $0x0  }
0x98: {  	[sflag:s12] =	ssyncadd.s32 @!p0 $0xFFFFF800  }
0x99: {  	_ =	swait.ge @!p0 [sflag:s12], $0x800  }
0x9a: {  	[sflag:s12] =	ssyncset.done @!p0 $0x0  }
0x9b: {  	[sflag:s12] =	ssyncadd.s32 @!p0 $0xFFFFF800  }
0x9c: {  	_ =	swait.ge @!p0 [sflag:s12], $0x800  }
0x9d: {  	[sflag:s12] =	ssyncset.done @!p0 $0x0  }
0x9e: {  	s22 =	simm.s32 $0x0;
	[sflag:s12] =	ssyncadd.s32 @!p0 $0xFFFFF800  }
0x9f: {  	s23 =	simm.s32 $0x0;
	s9 =	sand.u32 $0x1, s13;
	_ =	swait.ge @!p0 [sflag:s12], $0x800  }
0xa0: {  	s21 =	sand.u32 $0x30, s13;
	s20 =	sand.u32 $0xFFFFFE00, s22;
	[sflag:s12] =	ssyncset.done @!p0 $0x0  }
0xa1: {  	s24 =	sand.u32 $0x3FFFFF00, s23;
	s15 =	simm.s32 $0x0;
	[sflag:s12] =	ssyncadd.s32 @!p0 $0xFFFFF800  }
0xa2: {  	s18 =	sadd.s32 $0x5000, s20;
	s14 =	sshll.u32 s9, $0x7;
	s19 =	sand.u32 $0x40, s15;
	v0 =	vld [tilespmem:s21+$0x7000]  }
0xa3: {  	s17 =	sor.u32 s24, s14;
	s22 =	sor.u32 s19, s18  }
0xa4: {  	s12 =	sadd.s32 s19, s17;
	v1 =	vld [tilespmem:s22+$0x0]  }
0xa5: {  	s23 =	sand.u32 $0xF, s13;
	v4 =	vld [tilespmem:s12+$0x0]  }
0xa6: {  	v3 =	vmov s23  }
0xa7: {  	v0 =	vperm.xlane v0, v3;
	_ =	sdelay $0x1  }
0xa8: {  	v1 =	vand.u32 v0, v1  }
0xa9: {  	s12 =	sshll.u32 s9, $0xD;
	v1 =	vshrl.u32 v1, v4  }
0xaa: {  	s16 =	sor.u32 $0x1000, s12;
	v1 =	vand.u32 $0x1, v1  }
0xab: {  	v2 =	vld [tilespmem:s21+$0x7040];
	s20 =	sadd.s32 s20, s16;
	v1 =	vcvt.s32.f32 v1  }
0xac: {  	v5 =	vld [tilespmem:s21+$0x7080];
	s25 =	sadd.s32 s19, s20  }
0xad: {  	v6 =	vld [tilespmem:s21+$0x70C0];
	[tilespmem:s25+$0x0] =	vst v1  }
0xae: {  	v7 =	vld [tilespmem:s22+$0x80];
	_ =	sdelay $0x2  }
0xaf: {  	v1 =	vperm.xlane v2, v3;
	_ =	sdelay $0x1  }
0xb0: {  	v2 =	vand.u32 v1, v7  }
0xb1: {  	v2 =	vshrl.u32 v2, v4  }
0xb2: {  	v2 =	vand.u32 $0x1, v2  }
0xb3: {  	v2 =	vcvt.s32.f32 v2;
	_ =	sdelay $0x1  }
0xb4: {  	[tilespmem:s25+$0x80] =	vst v2  }
0xb5: {  	v7 =	vld [tilespmem:s22+$0x100];
	_ =	sdelay $0x2  }
0xb6: {  	v2 =	vperm.xlane v5, v3;
	_ =	sdelay $0x1  }
0xb7: {  	v5 =	vand.u32 v2, v7  }
0xb8: {  	v5 =	vshrl.u32 v5, v4  }
0xb9: {  	v5 =	vand.u32 $0x1, v5  }
0xba: {  	v5 =	vcvt.s32.f32 v5;
	_ =	sdelay $0x1  }
0xbb: {  	[tilespmem:s25+$0x100] =	vst v5  }
0xbc: {  	v5 =	vld [tilespmem:s22+$0x180];
	_ =	sdelay $0x2  }
0xbd: {  	v3 =	vperm.xlane v6, v3;
	_ =	sdelay $0x1  }
0xbe: {  	v5 =	vand.u32 v3, v5  }
0xbf: {  	v4 =	vshrl.u32 v5, v4  }
0xc0: {  	v4 =	vand.u32 $0x1, v4  }
0xc1: {  	v4 =	vcvt.s32.f32 v4  }
0xc2: {  	s26 =	sor.u32 $0x10, s19  }
0xc3: {  	s28 =	sor.u32 s26, s18;
	[tilespmem:s25+$0x180] =	vst v4  }
0xc4: {  	s9 =	sadd.s32 s26, s17;
	v4 =	vld [tilespmem:s28+$0x0]  }
0xc5: {  	v5 =	vld [tilespmem:s9+$0x0];
	_ =	sdelay $0x3  }
0xc6: {  	v4 =	vand.u32 v0, v4  }
0xc7: {  	v4 =	vshrl.u32 v4, v5  }
0xc8: {  	v4 =	vand.u32 $0x1, v4  }
0xc9: {  	v4 =	vcvt.s32.f32 v4  }
0xca: {  	s22 =	sadd.s32 s26, s20  }
0xcb: {  	[tilespmem:s22+$0x0] =	vst v4  }
0xcc: {  	v4 =	vld [tilespmem:s28+$0x80];
	_ =	sdelay $0x4  }
0xcd: {  	v4 =	vand.u32 v1, v4  }
0xce: {  	v4 =	vshrl.u32 v4, v5  }
0xcf: {  	v4 =	vand.u32 $0x1, v4  }
0xd0: {  	v4 =	vcvt.s32.f32 v4;
	_ =	sdelay $0x1  }
0xd1: {  	[tilespmem:s22+$0x80] =	vst v4  }
0xd2: {  	v4 =	vld [tilespmem:s28+$0x100];
	_ =	sdelay $0x4  }
0xd3: {  	v4 =	vand.u32 v2, v4  }
0xd4: {  	v4 =	vshrl.u32 v4, v5  }
0xd5: {  	v4 =	vand.u32 $0x1, v4  }
0xd6: {  	v4 =	vcvt.s32.f32 v4;
	_ =	sdelay $0x1  }
0xd7: {  	[tilespmem:s22+$0x100] =	vst v4  }
0xd8: {  	v4 =	vld [tilespmem:s28+$0x180];
	_ =	sdelay $0x4  }
0xd9: {  	v4 =	vand.u32 v3, v4  }
0xda: {  	v4 =	vshrl.u32 v4, v5  }
0xdb: {  	v4 =	vand.u32 $0x1, v4  }
0xdc: {  	v4 =	vcvt.s32.f32 v4  }
0xdd: {  	s24 =	sor.u32 $0x20, s19  }
0xde: {  	s25 =	sor.u32 s24, s18;
	[tilespmem:s22+$0x180] =	vst v4  }
0xdf: {  	s26 =	sadd.s32 s24, s17;
	v4 =	vld [tilespmem:s25+$0x0]  }
0xe0: {  	v5 =	vld [tilespmem:s26+$0x0];
	_ =	sdelay $0x3  }
0xe1: {  	v4 =	vand.u32 v0, v4  }
0xe2: {  	v4 =	vshrl.u32 v4, v5  }
0xe3: {  	v4 =	vand.u32 $0x1, v4  }
0xe4: {  	v4 =	vcvt.s32.f32 v4  }
0xe5: {  	s21 =	sadd.s32 s24, s20  }
0xe6: {  	[tilespmem:s21+$0x0] =	vst v4  }
0xe7: {  	v4 =	vld [tilespmem:s25+$0x80];
	_ =	sdelay $0x4  }
0xe8: {  	v4 =	vand.u32 v1, v4  }
0xe9: {  	v4 =	vshrl.u32 v4, v5  }
0xea: {  	v4 =	vand.u32 $0x1, v4  }
0xeb: {  	v4 =	vcvt.s32.f32 v4;
	_ =	sdelay $0x1  }
0xec: {  	[tilespmem:s21+$0x80] =	vst v4  }
0xed: {  	v4 =	vld [tilespmem:s25+$0x100];
	_ =	sdelay $0x4  }
0xee: {  	v4 =	vand.u32 v2, v4  }
0xef: {  	v4 =	vshrl.u32 v4, v5  }
0xf0: {  	v4 =	vand.u32 $0x1, v4  }
0xf1: {  	v4 =	vcvt.s32.f32 v4;
	_ =	sdelay $0x1  }
0xf2: {  	[tilespmem:s21+$0x100] =	vst v4  }
0xf3: {  	v4 =	vld [tilespmem:s25+$0x180];
	_ =	sdelay $0x4  }
0xf4: {  	v4 =	vand.u32 v3, v4  }
0xf5: {  	v4 =	vshrl.u32 v4, v5  }
0xf6: {  	v4 =	vand.u32 $0x1, v4  }
0xf7: {  	v4 =	vcvt.s32.f32 v4  }
0xf8: {  	s19 =	sor.u32 $0x30, s19  }
0xf9: {  	s18 =	sor.u32 s19, s18;
	[tilespmem:s21+$0x180] =	vst v4  }
0xfa: {  	s17 =	sadd.s32 s19, s17;
	v5 =	vld [tilespmem:s18+$0x0]  }
0xfb: {  	v4 =	vld [tilespmem:s17+$0x0];
	_ =	sdelay $0x3  }
0xfc: {  	v5 =	vand.u32 v0, v5  }
0xfd: {  	v5 =	vshrl.u32 v5, v4  }
0xfe: {  	v5 =	vand.u32 $0x1, v5  }
0xff: {  	v5 =	vcvt.s32.f32 v5  }
0x100: {  	s19 =	sadd.s32 s19, s20  }
0x101: {  	[tilespmem:s19+$0x0] =	vst v5  }
0x102: {  	v5 =	vld [tilespmem:s18+$0x80];
	_ =	sdelay $0x4  }
0x103: {  	v5 =	vand.u32 v1, v5  }
0x104: {  	v5 =	vshrl.u32 v5, v4  }
0x105: {  	v5 =	vand.u32 $0x1, v5  }
0x106: {  	v5 =	vcvt.s32.f32 v5;
	_ =	sdelay $0x1  }
0x107: {  	[tilespmem:s19+$0x80] =	vst v5  }
0x108: {  	v5 =	vld [tilespmem:s18+$0x100];
	_ =	sdelay $0x4  }
0x109: {  	v5 =	vand.u32 v2, v5  }
0x10a: {  	v5 =	vshrl.u32 v5, v4  }
0x10b: {  	v5 =	vand.u32 $0x1, v5  }
0x10c: {  	v5 =	vcvt.s32.f32 v5;
	_ =	sdelay $0x1  }
0x10d: {  	[tilespmem:s19+$0x100] =	vst v5  }
0x10e: {  	v5 =	vld [tilespmem:s18+$0x180];
	_ =	sdelay $0x1  }
0x10f: {  	s28 =	sadd.s32 s5, s13  }
0x110: {  	s13 =	sshll.u32 s13, $0x4;
	s17 =	sshll.u32 s28, $0x8  }
0x111: {  	s13 =	sand.u32 $0x70, s13;
	s17 =	sand.u32 $0x7F800, s17  }
0x112: {  	s13 =	sor.u32 s13, s17;
	s17 =	simm.s32 $0x0;
	v5 =	vand.u32 v3, v5  }
.LBB2_3:
0x113: {  	s17 =	sadd.s32 $0x4, s17;
	v4 =	vshrl.u32 v5, v4  }
0x114: {  	s18 =	sshll.u32 s17, $0x5;
	s20 =	sshll.u32 s17, $0x6;
	p0 =	slt.u32 s17, $0x7C;
	v4 =	vand.u32 $0x1, v4  }
0x115: {  	s15 =	sadd.s32 $0x40, s15;
	s18 =	sand.u32 $0x3FFFFF00, s18;
	s21 =	sand.u32 $0xFFFFFE00, s20;
	v4 =	vcvt.s32.f32 v4  }
0x116: {  	s28 =	sand.u32 $0x40, s15;
	s9 =	sor.u32 s18, s14;
	s20 =	sadd.s32 $0x5000, s21  }
0x117: {  	s18 =	sadd.s32 s21, s16;
	s23 =	sadd.s32 s28, s9;
	s26 =	sor.u32 s28, s20;
	[tilespmem:s19+$0x180] =	vst v4  }
0x118: {  	s24 =	sor.u32 $0x10, s28;
	s22 =	sor.u32 $0x20, s28;
	s19 =	sor.u32 $0x30, s28;
	v4 =	vld [tilespmem:s26+$0x0]  }
0x119: {  	s25 =	sadd.s32 s24, s9;
	s21 =	sadd.s32 s19, s9;
	v5 =	vld [tilespmem:s23+$0x0];
	s23 =	sadd.s32 s22, s9  }
0x11a: {  	_ =	sdelay $0x2  }
0x11b: {  	v4 =	vand.u32 v0, v4  }
0x11c: {  	v4 =	vshrl.u32 v4, v5  }
0x11d: {  	v4 =	vand.u32 $0x1, v4  }
0x11e: {  	v4 =	vcvt.s32.f32 v4  }
0x11f: {  	s9 =	sadd.s32 s28, s18  }
0x120: {  	[tilespmem:s9+$0x0] =	vst v4  }
0x121: {  	v4 =	vld [tilespmem:s26+$0x80];
	_ =	sdelay $0x4  }
0x122: {  	v4 =	vand.u32 v1, v4  }
0x123: {  	v4 =	vshrl.u32 v4, v5  }
0x124: {  	v4 =	vand.u32 $0x1, v4  }
0x125: {  	v4 =	vcvt.s32.f32 v4;
	_ =	sdelay $0x1  }
0x126: {  	[tilespmem:s9+$0x80] =	vst v4  }
0x127: {  	v4 =	vld [tilespmem:s26+$0x100];
	_ =	sdelay $0x4  }
0x128: {  	v4 =	vand.u32 v2, v4  }
0x129: {  	v4 =	vshrl.u32 v4, v5  }
0x12a: {  	v4 =	vand.u32 $0x1, v4  }
0x12b: {  	v4 =	vcvt.s32.f32 v4;
	_ =	sdelay $0x1  }
0x12c: {  	[tilespmem:s9+$0x100] =	vst v4  }
0x12d: {  	v4 =	vld [tilespmem:s26+$0x180];
	_ =	sdelay $0x4  }
0x12e: {  	v4 =	vand.u32 v3, v4  }
0x12f: {  	v4 =	vshrl.u32 v4, v5  }
0x130: {  	v4 =	vand.u32 $0x1, v4  }
0x131: {  	v4 =	vcvt.s32.f32 v4;
	_ =	sdelay $0x1  }
0x132: {  	[tilespmem:s9+$0x180] =	vst v4;
	s9 =	sor.u32 s24, s20  }
0x133: {  	v4 =	vld [tilespmem:s9+$0x0]  }
0x134: {  	v5 =	vld [tilespmem:s25+$0x0];
	_ =	sdelay $0x3  }
0x135: {  	v4 =	vand.u32 v0, v4  }
0x136: {  	v4 =	vshrl.u32 v4, v5  }
0x137: {  	v4 =	vand.u32 $0x1, v4  }
0x138: {  	v4 =	vcvt.s32.f32 v4  }
0x139: {  	s24 =	sadd.s32 s24, s18  }
0x13a: {  	[tilespmem:s24+$0x0] =	vst v4  }
0x13b: {  	v4 =	vld [tilespmem:s9+$0x80];
	_ =	sdelay $0x4  }
0x13c: {  	v4 =	vand.u32 v1, v4  }
0x13d: {  	v4 =	vshrl.u32 v4, v5  }
0x13e: {  	v4 =	vand.u32 $0x1, v4  }
0x13f: {  	v4 =	vcvt.s32.f32 v4;
	_ =	sdelay $0x1  }
0x140: {  	[tilespmem:s24+$0x80] =	vst v4  }
0x141: {  	v4 =	vld [tilespmem:s9+$0x100];
	_ =	sdelay $0x4  }
0x142: {  	v4 =	vand.u32 v2, v4  }
0x143: {  	v4 =	vshrl.u32 v4, v5  }
0x144: {  	v4 =	vand.u32 $0x1, v4  }
0x145: {  	v4 =	vcvt.s32.f32 v4;
	_ =	sdelay $0x1  }
0x146: {  	[tilespmem:s24+$0x100] =	vst v4  }
0x147: {  	v4 =	vld [tilespmem:s9+$0x180];
	_ =	sdelay $0x4  }
0x148: {  	v4 =	vand.u32 v3, v4  }
0x149: {  	v4 =	vshrl.u32 v4, v5  }
0x14a: {  	v4 =	vand.u32 $0x1, v4  }
0x14b: {  	v4 =	vcvt.s32.f32 v4;
	_ =	sdelay $0x1  }
0x14c: {  	s9 =	sor.u32 s22, s20;
	[tilespmem:s24+$0x180] =	vst v4  }
0x14d: {  	v4 =	vld [tilespmem:s9+$0x0]  }
0x14e: {  	v5 =	vld [tilespmem:s23+$0x0];
	_ =	sdelay $0x3  }
0x14f: {  	v4 =	vand.u32 v0, v4  }
0x150: {  	v4 =	vshrl.u32 v4, v5  }
0x151: {  	v4 =	vand.u32 $0x1, v4  }
0x152: {  	v4 =	vcvt.s32.f32 v4  }
0x153: {  	s22 =	sadd.s32 s22, s18  }
0x154: {  	[tilespmem:s22+$0x0] =	vst v4  }
0x155: {  	v4 =	vld [tilespmem:s9+$0x80];
	_ =	sdelay $0x4  }
0x156: {  	v4 =	vand.u32 v1, v4  }
0x157: {  	v4 =	vshrl.u32 v4, v5  }
0x158: {  	v4 =	vand.u32 $0x1, v4  }
0x159: {  	v4 =	vcvt.s32.f32 v4;
	_ =	sdelay $0x1  }
0x15a: {  	[tilespmem:s22+$0x80] =	vst v4  }
0x15b: {  	v4 =	vld [tilespmem:s9+$0x100];
	_ =	sdelay $0x4  }
0x15c: {  	v4 =	vand.u32 v2, v4  }
0x15d: {  	v4 =	vshrl.u32 v4, v5  }
0x15e: {  	v4 =	vand.u32 $0x1, v4  }
0x15f: {  	v4 =	vcvt.s32.f32 v4;
	_ =	sdelay $0x1  }
0x160: {  	[tilespmem:s22+$0x100] =	vst v4  }
0x161: {  	v4 =	vld [tilespmem:s9+$0x180];
	_ =	sdelay $0x4  }
0x162: {  	v4 =	vand.u32 v3, v4  }
0x163: {  	v4 =	vshrl.u32 v4, v5  }
0x164: {  	v4 =	vand.u32 $0x1, v4  }
0x165: {  	v4 =	vcvt.s32.f32 v4;
	_ =	sdelay $0x1  }
0x166: {  	s9 =	sor.u32 s19, s20;
	[tilespmem:s22+$0x180] =	vst v4  }
0x167: {  	v5 =	vld [tilespmem:s9+$0x0]  }
0x168: {  	v4 =	vld [tilespmem:s21+$0x0];
	_ =	sdelay $0x3  }
0x169: {  	v5 =	vand.u32 v0, v5  }
0x16a: {  	v5 =	vshrl.u32 v5, v4  }
0x16b: {  	v5 =	vand.u32 $0x1, v5  }
0x16c: {  	v5 =	vcvt.s32.f32 v5  }
0x16d: {  	s19 =	sadd.s32 s19, s18  }
0x16e: {  	[tilespmem:s19+$0x0] =	vst v5  }
0x16f: {  	v5 =	vld [tilespmem:s9+$0x80];
	_ =	sdelay $0x4  }
0x170: {  	v5 =	vand.u32 v1, v5  }
0x171: {  	v5 =	vshrl.u32 v5, v4  }
0x172: {  	v5 =	vand.u32 $0x1, v5  }
0x173: {  	v5 =	vcvt.s32.f32 v5;
	_ =	sdelay $0x1  }
0x174: {  	[tilespmem:s19+$0x80] =	vst v5  }
0x175: {  	v5 =	vld [tilespmem:s9+$0x100];
	_ =	sdelay $0x4  }
0x176: {  	v5 =	vand.u32 v2, v5  }
0x177: {  	v5 =	vshrl.u32 v5, v4  }
0x178: {  	v5 =	vand.u32 $0x1, v5  }
0x179: {  	v5 =	vcvt.s32.f32 v5;
	_ =	sdelay $0x1  }
0x17a: {  	[tilespmem:s19+$0x100] =	vst v5  }
0x17b: {  	v5 =	vld [tilespmem:s9+$0x180]  }
.Ltmp0:
0x17c: {  	(pc) =	sbr.rel @p0 .LBB2_3-.Ltmp0, $2  }
0x17d: {  	_ =	sdelay $0x2  }
0x17e: {  	v5 =	vand.u32 v3, v5  }
0x17f: {  	v0 =	vshrl.u32 v5, v4  }
0x180: {  	v0 =	vand.u32 $0x1, v0  }
0x181: {  	v0 =	vcvt.s32.f32 v0;
	_ =	sdelay $0x1  }
0x182: {  	s9 =	sadd.s32 s3, s13;
	[tilespmem:s19+$0x180] =	vst v0  }
0x183: {  	[hbm4b:s9+s4] =	stream.linear.scatter [tilespmem:s16], [sflag:$0x2], $0x80, $0x38;
	[tilespmem:$0x7100] =	vst v63  }
0x184: {  	s14 =	sadd.s32 $0x1200, s12;
	s15 =	sadd.s32 $0x80, s9  }
0x185: {  	[hbm4b:s15+s4] =	stream.linear.scatter [tilespmem:s14], [sflag:$0x2], $0x80, $0x38;
	[tilespmem:$0x7100] =	vst v63  }
0x186: {  	s22 =	sadd.s32 $0x1400, s12;
	s23 =	sadd.s32 $0x100, s9  }
0x187: {  	[hbm4b:s23+s4] =	stream.linear.scatter [tilespmem:s22], [sflag:$0x2], $0x80, $0x38;
	[tilespmem:$0x7100] =	vst v63  }
0x188: {  	s24 =	sadd.s32 $0x1600, s12;
	s25 =	sadd.s32 $0x180, s9  }
0x189: {  	[hbm4b:s25+s4] =	stream.linear.scatter [tilespmem:s24], [sflag:$0x2], $0x80, $0x38;
	[tilespmem:$0x7100] =	vst v63  }
0x18a: {  	s26 =	sadd.s32 $0x1800, s12;
	s28 =	sadd.s32 $0x200, s9  }
0x18b: {  	[hbm4b:s28+s4] =	stream.linear.scatter [tilespmem:s26], [sflag:$0x2], $0x80, $0x38;
	[tilespmem:$0x7100] =	vst v63  }
0x18c: {  	s17 =	sadd.s32 $0x280, s9;
	s16 =	sadd.s32 $0x1A00, s12  }
0x18d: {  	[hbm4b:s17+s4] =	stream.linear.scatter [tilespmem:s16], [sflag:$0x2], $0x80, $0x38;
	[tilespmem:$0x7100] =	vst v63  }
0x18e: {  	s18 =	sadd.s32 $0x1C00, s12;
	s19 =	sadd.s32 $0x300, s9  }
0x18f: {  	[hbm4b:s19+s4] =	stream.linear.scatter [tilespmem:s18], [sflag:$0x2], $0x80, $0x38;
	[tilespmem:$0x7100] =	vst v63  }
0x190: {  	s20 =	sadd.s32 $0x1E00, s12;
	s21 =	sadd.s32 $0x380, s9  }
0x191: {  	[hbm4b:s21+s4] =	stream.linear.scatter [tilespmem:s20], [sflag:$0x2], $0x80, $0x38;
	[tilespmem:$0x7100] =	vst v63  }
0x192: {  	s22 =	sadd.s32 $0x2000, s12;
	s23 =	sadd.s32 $0x400, s9  }
0x193: {  	[hbm4b:s23+s4] =	stream.linear.scatter [tilespmem:s22], [sflag:$0x2], $0x80, $0x38;
	[tilespmem:$0x7100] =	vst v63  }
0x194: {  	s24 =	sadd.s32 $0x2200, s12;
	s25 =	sadd.s32 $0x480, s9  }
0x195: {  	[hbm4b:s25+s4] =	stream.linear.scatter [tilespmem:s24], [sflag:$0x2], $0x80, $0x38;
	[tilespmem:$0x7100] =	vst v63  }
0x196: {  	s26 =	sadd.s32 $0x2400, s12;
	s28 =	sadd.s32 $0x500, s9  }
0x197: {  	[hbm4b:s28+s4] =	stream.linear.scatter [tilespmem:s26], [sflag:$0x2], $0x80, $0x38;
	[tilespmem:$0x7100] =	vst v63  }
0x198: {  	s16 =	sadd.s32 $0x2600, s12;
	s17 =	sadd.s32 $0x580, s9  }
0x199: {  	[hbm4b:s17+s4] =	stream.linear.scatter [tilespmem:s16], [sflag:$0x2], $0x80, $0x38;
	[tilespmem:$0x7100] =	vst v63  }
0x19a: {  	s18 =	sadd.s32 $0x2800, s12;
	s19 =	sadd.s32 $0x600, s9  }
0x19b: {  	[hbm4b:s19+s4] =	stream.linear.scatter [tilespmem:s18], [sflag:$0x2], $0x80, $0x38;
	[tilespmem:$0x7100] =	vst v63  }
0x19c: {  	s20 =	sadd.s32 $0x2A00, s12;
	s21 =	sadd.s32 $0x680, s9  }
0x19d: {  	[hbm4b:s21+s4] =	stream.linear.scatter [tilespmem:s20], [sflag:$0x2], $0x80, $0x38;
	[tilespmem:$0x7100] =	vst v63  }
0x19e: {  	s22 =	sadd.s32 $0x2C00, s12;
	s23 =	sadd.s32 $0x700, s9  }
0x19f: {  	[hbm4b:s23+s4] =	stream.linear.scatter [tilespmem:s22], [sflag:$0x2], $0x80, $0x38;
	[tilespmem:$0x7100] =	vst v63  }
0x1a0: {  	s9 =	sadd.s32 $0x780, s9;
	s24 =	sadd.s32 $0x2E00, s12  }
0x1a1: {  	[hbm4b:s9+s4] =	stream.linear.scatter [tilespmem:s24], [sflag:$0x2], $0x80, $0x38;
	[tilespmem:$0x7100] =	vst v63  }
0x1a2: {  	s25 =	sadd.s32 $0x1080, s12;
	s9 =	sadd.s32 s13, s29  }
0x1a3: {  	[hbm4b:s9+s4] =	stream.linear.scatter [tilespmem:s25], [sflag:$0x2], $0x80, $0x38;
	[tilespmem:$0x7100] =	vst v63  }
0x1a4: {  	s26 =	sadd.s32 $0x1280, s12;
	s28 =	sadd.s32 $0x80, s9  }
0x1a5: {  	[hbm4b:s28+s4] =	stream.linear.scatter [tilespmem:s26], [sflag:$0x2], $0x80, $0x38;
	[tilespmem:$0x7100] =	vst v63  }
0x1a6: {  	s16 =	sadd.s32 $0x1480, s12;
	s17 =	sadd.s32 $0x100, s9  }
0x1a7: {  	[hbm4b:s17+s4] =	stream.linear.scatter [tilespmem:s16], [sflag:$0x2], $0x80, $0x38;
	[tilespmem:$0x7100] =	vst v63  }
0x1a8: {  	s18 =	sadd.s32 $0x1680, s12;
	s19 =	sadd.s32 $0x180, s9  }
0x1a9: {  	[hbm4b:s19+s4] =	stream.linear.scatter [tilespmem:s18], [sflag:$0x2], $0x80, $0x38;
	[tilespmem:$0x7100] =	vst v63  }
0x1aa: {  	s20 =	sadd.s32 $0x1880, s12;
	s21 =	sadd.s32 $0x200, s9  }
0x1ab: {  	[hbm4b:s21+s4] =	stream.linear.scatter [tilespmem:s20], [sflag:$0x2], $0x80, $0x38;
	[tilespmem:$0x7100] =	vst v63  }
0x1ac: {  	s22 =	sadd.s32 $0x1A80, s12;
	s23 =	sadd.s32 $0x280, s9  }
0x1ad: {  	[hbm4b:s23+s4] =	stream.linear.scatter [tilespmem:s22], [sflag:$0x2], $0x80, $0x38;
	[tilespmem:$0x7100] =	vst v63  }
0x1ae: {  	s24 =	sadd.s32 $0x1C80, s12;
	s25 =	sadd.s32 $0x300, s9  }
0x1af: {  	[hbm4b:s25+s4] =	stream.linear.scatter [tilespmem:s24], [sflag:$0x2], $0x80, $0x38;
	[tilespmem:$0x7100] =	vst v63  }
0x1b0: {  	s26 =	sadd.s32 $0x1E80, s12;
	s28 =	sadd.s32 $0x380, s9  }
0x1b1: {  	[hbm4b:s28+s4] =	stream.linear.scatter [tilespmem:s26], [sflag:$0x2], $0x80, $0x38;
	[tilespmem:$0x7100] =	vst v63  }
0x1b2: {  	s16 =	sadd.s32 $0x2080, s12;
	s17 =	sadd.s32 $0x400, s9  }
0x1b3: {  	[hbm4b:s17+s4] =	stream.linear.scatter [tilespmem:s16], [sflag:$0x2], $0x80, $0x38;
	[tilespmem:$0x7100] =	vst v63  }
0x1b4: {  	s18 =	sadd.s32 $0x2280, s12;
	s19 =	sadd.s32 $0x480, s9  }
0x1b5: {  	[hbm4b:s19+s4] =	stream.linear.scatter [tilespmem:s18], [sflag:$0x2], $0x80, $0x38;
	[tilespmem:$0x7100] =	vst v63  }
0x1b6: {  	s20 =	sadd.s32 $0x2480, s12;
	s21 =	sadd.s32 $0x500, s9  }
0x1b7: {  	[hbm4b:s21+s4] =	stream.linear.scatter [tilespmem:s20], [sflag:$0x2], $0x80, $0x38;
	[tilespmem:$0x7100] =	vst v63  }
0x1b8: {  	s22 =	sadd.s32 $0x2680, s12;
	s23 =	sadd.s32 $0x580, s9  }
0x1b9: {  	[hbm4b:s23+s4] =	stream.linear.scatter [tilespmem:s22], [sflag:$0x2], $0x80, $0x38;
	[tilespmem:$0x7100] =	vst v63  }
0x1ba: {  	s24 =	sadd.s32 $0x2880, s12;
	s25 =	sadd.s32 $0x600, s9  }
0x1bb: {  	[hbm4b:s25+s4] =	stream.linear.scatter [tilespmem:s24], [sflag:$0x2], $0x80, $0x38;
	[tilespmem:$0x7100] =	vst v63  }
0x1bc: {  	s26 =	sadd.s32 $0x2A80, s12;
	s28 =	sadd.s32 $0x680, s9  }
0x1bd: {  	[hbm4b:s28+s4] =	stream.linear.scatter [tilespmem:s26], [sflag:$0x2], $0x80, $0x38;
	[tilespmem:$0x7100] =	vst v63  }
0x1be: {  	s16 =	sadd.s32 $0x2C80, s12;
	s17 =	sadd.s32 $0x700, s9  }
0x1bf: {  	[hbm4b:s17+s4] =	stream.linear.scatter [tilespmem:s16], [sflag:$0x2], $0x80, $0x38;
	[tilespmem:$0x7100] =	vst v63  }
0x1c0: {  	s9 =	sadd.s32 $0x780, s9;
	s18 =	sadd.s32 $0x2E80, s12  }
0x1c1: {  	[hbm4b:s9+s4] =	stream.linear.scatter [tilespmem:s18], [sflag:$0x2], $0x80, $0x38;
	[tilespmem:$0x7100] =	vst v63  }
0x1c2: {  	s19 =	sadd.s32 $0x1100, s12;
	s9 =	sadd.s32 s13, s30  }
0x1c3: {  	[hbm4b:s9+s4] =	stream.linear.scatter [tilespmem:s19], [sflag:$0x2], $0x80, $0x38;
	[tilespmem:$0x7100] =	vst v63  }
0x1c4: {  	s20 =	sadd.s32 $0x1300, s12;
	s21 =	sadd.s32 $0x80, s9  }
0x1c5: {  	[hbm4b:s21+s4] =	stream.linear.scatter [tilespmem:s20], [sflag:$0x2], $0x80, $0x38;
	[tilespmem:$0x7100] =	vst v63  }
0x1c6: {  	s22 =	sadd.s32 $0x1500, s12;
	s23 =	sadd.s32 $0x100, s9  }
0x1c7: {  	[hbm4b:s23+s4] =	stream.linear.scatter [tilespmem:s22], [sflag:$0x2], $0x80, $0x38;
	[tilespmem:$0x7100] =	vst v63  }
0x1c8: {  	s24 =	sadd.s32 $0x1700, s12;
	s25 =	sadd.s32 $0x180, s9  }
0x1c9: {  	[hbm4b:s25+s4] =	stream.linear.scatter [tilespmem:s24], [sflag:$0x2], $0x80, $0x38;
	[tilespmem:$0x7100] =	vst v63  }
0x1ca: {  	s26 =	sadd.s32 $0x1900, s12;
	s28 =	sadd.s32 $0x200, s9  }
0x1cb: {  	[hbm4b:s28+s4] =	stream.linear.scatter [tilespmem:s26], [sflag:$0x2], $0x80, $0x38;
	[tilespmem:$0x7100] =	vst v63  }
0x1cc: {  	s16 =	sadd.s32 $0x1B00, s12;
	s17 =	sadd.s32 $0x280, s9  }
0x1cd: {  	[hbm4b:s17+s4] =	stream.linear.scatter [tilespmem:s16], [sflag:$0x2], $0x80, $0x38;
	[tilespmem:$0x7100] =	vst v63  }
0x1ce: {  	s18 =	sadd.s32 $0x1D00, s12;
	s19 =	sadd.s32 $0x300, s9  }
0x1cf: {  	[hbm4b:s19+s4] =	stream.linear.scatter [tilespmem:s18], [sflag:$0x2], $0x80, $0x38;
	[tilespmem:$0x7100] =	vst v63  }
0x1d0: {  	s20 =	sadd.s32 $0x1F00, s12;
	s21 =	sadd.s32 $0x380, s9  }
0x1d1: {  	[hbm4b:s21+s4] =	stream.linear.scatter [tilespmem:s20], [sflag:$0x2], $0x80, $0x38;
	[tilespmem:$0x7100] =	vst v63  }
0x1d2: {  	s22 =	sadd.s32 $0x2100, s12;
	s23 =	sadd.s32 $0x400, s9  }
0x1d3: {  	[hbm4b:s23+s4] =	stream.linear.scatter [tilespmem:s22], [sflag:$0x2], $0x80, $0x38;
	[tilespmem:$0x7100] =	vst v63  }
0x1d4: {  	s24 =	sadd.s32 $0x2300, s12;
	s25 =	sadd.s32 $0x480, s9  }
0x1d5: {  	[hbm4b:s25+s4] =	stream.linear.scatter [tilespmem:s24], [sflag:$0x2], $0x80, $0x38;
	[tilespmem:$0x7100] =	vst v63  }
0x1d6: {  	s26 =	sadd.s32 $0x2500, s12;
	s28 =	sadd.s32 $0x500, s9  }
0x1d7: {  	[hbm4b:s28+s4] =	stream.linear.scatter [tilespmem:s26], [sflag:$0x2], $0x80, $0x38;
	[tilespmem:$0x7100] =	vst v63  }
0x1d8: {  	s16 =	sadd.s32 $0x2700, s12;
	s17 =	sadd.s32 $0x580, s9  }
0x1d9: {  	[hbm4b:s17+s4] =	stream.linear.scatter [tilespmem:s16], [sflag:$0x2], $0x80, $0x38;
	[tilespmem:$0x7100] =	vst v63  }
0x1da: {  	s18 =	sadd.s32 $0x2900, s12;
	s19 =	sadd.s32 $0x600, s9  }
0x1db: {  	[hbm4b:s19+s4] =	stream.linear.scatter [tilespmem:s18], [sflag:$0x2], $0x80, $0x38;
	[tilespmem:$0x7100] =	vst v63  }
0x1dc: {  	s20 =	sadd.s32 $0x2B00, s12;
	s21 =	sadd.s32 $0x680, s9  }
0x1dd: {  	[hbm4b:s21+s4] =	stream.linear.scatter [tilespmem:s20], [sflag:$0x2], $0x80, $0x38;
	[tilespmem:$0x7100] =	vst v63  }
0x1de: {  	s22 =	sadd.s32 $0x2D00, s12;
	s23 =	sadd.s32 $0x700, s9  }
0x1df: {  	[hbm4b:s23+s4] =	stream.linear.scatter [tilespmem:s22], [sflag:$0x2], $0x80, $0x38;
	[tilespmem:$0x7100] =	vst v63  }
0x1e0: {  	s9 =	sadd.s32 $0x780, s9;
	s24 =	sadd.s32 $0x2F00, s12  }
0x1e1: {  	[hbm4b:s9+s4] =	stream.linear.scatter [tilespmem:s24], [sflag:$0x2], $0x80, $0x38;
	[tilespmem:$0x7100] =	vst v63  }
0x1e2: {  	s25 =	sadd.s32 $0x1180, s12;
	s9 =	sadd.s32 s13, s31  }
0x1e3: {  	[hbm4b:s9+s4] =	stream.linear.scatter [tilespmem:s25], [sflag:$0x2], $0x80, $0x38;
	[tilespmem:$0x7100] =	vst v63  }
0x1e4: {  	s26 =	sadd.s32 $0x1380, s12;
	s28 =	sadd.s32 $0x80, s9  }
0x1e5: {  	[hbm4b:s28+s4] =	stream.linear.scatter [tilespmem:s26], [sflag:$0x2], $0x80, $0x38;
	[tilespmem:$0x7100] =	vst v63  }
0x1e6: {  	s14 =	sadd.s32 $0x1580, s12;
	s15 =	sadd.s32 $0x100, s9  }
0x1e7: {  	[hbm4b:s15+s4] =	stream.linear.scatter [tilespmem:s14], [sflag:$0x2], $0x80, $0x38;
	[tilespmem:$0x7100] =	vst v63  }
0x1e8: {  	s16 =	sadd.s32 $0x1780, s12;
	s17 =	sadd.s32 $0x180, s9  }
0x1e9: {  	[hbm4b:s17+s4] =	stream.linear.scatter [tilespmem:s16], [sflag:$0x2], $0x80, $0x38;
	[tilespmem:$0x7100] =	vst v63  }
0x1ea: {  	s18 =	sadd.s32 $0x1980, s12;
	s19 =	sadd.s32 $0x200, s9  }
0x1eb: {  	[hbm4b:s19+s4] =	stream.linear.scatter [tilespmem:s18], [sflag:$0x2], $0x80, $0x38;
	[tilespmem:$0x7100] =	vst v63  }
0x1ec: {  	s20 =	sadd.s32 $0x1B80, s12;
	s21 =	sadd.s32 $0x280, s9  }
0x1ed: {  	[hbm4b:s21+s4] =	stream.linear.scatter [tilespmem:s20], [sflag:$0x2], $0x80, $0x38;
	[tilespmem:$0x7100] =	vst v63  }
0x1ee: {  	s22 =	sadd.s32 $0x1D80, s12;
	s23 =	sadd.s32 $0x300, s9  }
0x1ef: {  	[hbm4b:s23+s4] =	stream.linear.scatter [tilespmem:s22], [sflag:$0x2], $0x80, $0x38;
	[tilespmem:$0x7100] =	vst v63  }
0x1f0: {  	s24 =	sadd.s32 $0x1F80, s12;
	s25 =	sadd.s32 $0x380, s9  }
0x1f1: {  	[hbm4b:s25+s4] =	stream.linear.scatter [tilespmem:s24], [sflag:$0x2], $0x80, $0x38;
	[tilespmem:$0x7100] =	vst v63  }
0x1f2: {  	s26 =	sadd.s32 $0x2180, s12;
	s28 =	sadd.s32 $0x400, s9  }
0x1f3: {  	[hbm4b:s28+s4] =	stream.linear.scatter [tilespmem:s26], [sflag:$0x2], $0x80, $0x38;
	[tilespmem:$0x7100] =	vst v63  }
0x1f4: {  	s15 =	sadd.s32 $0x2380, s12;
	s16 =	sadd.s32 $0x480, s9  }
0x1f5: {  	[hbm4b:s16+s4] =	stream.linear.scatter [tilespmem:s15], [sflag:$0x2], $0x80, $0x38;
	[tilespmem:$0x7100] =	vst v63  }
0x1f6: {  	s17 =	sadd.s32 $0x2580, s12;
	s18 =	sadd.s32 $0x500, s9  }
0x1f7: {  	[hbm4b:s18+s4] =	stream.linear.scatter [tilespmem:s17], [sflag:$0x2], $0x80, $0x38;
	[tilespmem:$0x7100] =	vst v63  }
0x1f8: {  	s19 =	sadd.s32 $0x2780, s12;
	s20 =	sadd.s32 $0x580, s9  }
0x1f9: {  	[hbm4b:s20+s4] =	stream.linear.scatter [tilespmem:s19], [sflag:$0x2], $0x80, $0x38;
	[tilespmem:$0x7100] =	vst v63  }
0x1fa: {  	s21 =	sadd.s32 $0x2980, s12;
	s22 =	sadd.s32 $0x600, s9  }
0x1fb: {  	[hbm4b:s22+s4] =	stream.linear.scatter [tilespmem:s21], [sflag:$0x2], $0x80, $0x38;
	[tilespmem:$0x7100] =	vst v63  }
0x1fc: {  	p0 =	sne.s32 s10, $0x40;
	s23 =	sadd.s32 $0x2B80, s12;
	s24 =	sadd.s32 $0x680, s9  }
0x1fd: {  	[hbm4b:s24+s4] =	stream.linear.scatter [tilespmem:s23], [sflag:$0x2], $0x80, $0x38;
	[tilespmem:$0x7100] =	vst v63  }
.Ltmp1:
0x1fe: {  	_ = 	snop;
	(pc) =	sbr.rel @p0 .LBB2_2-.Ltmp1, $4  }
0x1ff: {  	s25 =	sadd.s32 $0x2D80, s12;
	s26 =	sadd.s32 $0x700, s9  }
0x200: {  	[hbm4b:s26+s4] =	stream.linear.scatter [tilespmem:s25], [sflag:$0x2], $0x80, $0x38;
	[tilespmem:$0x7100] =	vst v63  }
0x201: {  	s28 =	sadd.s32 $0x2F80, s12;
	s9 =	sadd.s32 $0x780, s9  }
0x202: {  	[hbm4b:s9+s4] =	stream.linear.scatter [tilespmem:s28], [sflag:$0x2], $0x80, $0x38;
	[tilespmem:$0x7100] =	vst v63  }
0x203: {  	_ =	swait.ge [sflag:s8], $0x800  }
0x204: {  	[sflag:s8] =	ssyncset.done $0x0  }
0x205: {  	[sflag:s8] =	ssyncadd.s32 $0xFFFFF800  }
0x206: {  	_ =	swait.ge [sflag:s8], $0x800  }
0x207: {  	[sflag:s8] =	ssyncset.done $0x0  }
0x208: {  	[sflag:s8] =	ssyncadd.s32 $0xFFFFF800  }
0x209: {  	_ =	swait.ge [sflag:s8], $0x800  }
0x20a: {  	[sflag:s8] =	ssyncset.done $0x0  }
0x20b: {  	[sflag:s8] =	ssyncadd.s32 $0xFFFFF800  }
0x20c: {  	_ =	swait.ge [sflag:s8], $0x800  }
0x20d: {  	[sflag:s8] =	ssyncset.done $0x0  }
0x20e: {  	[sflag:s8] =	ssyncadd.s32 $0xFFFFF800  }
0x20f: {  	_ =	swait.ge [sflag:s8], $0x800  }
0x210: {  	[sflag:s8] =	ssyncset.done $0x0  }
0x211: {  	[sflag:s8] =	ssyncadd.s32 $0xFFFFF800  }
0x212: {  	_ =	swait.ge [sflag:s8], $0x800  }
0x213: {  	[sflag:s8] =	ssyncset.done $0x0  }
0x214: {  	[sflag:s8] =	ssyncadd.s32 $0xFFFFF800  }
0x215: {  	_ =	swait.ge [sflag:s8], $0x800  }
0x216: {  	[sflag:s8] =	ssyncset.done $0x0  }
0x217: {  	[sflag:s8] =	ssyncadd.s32 $0xFFFFF800  }
0x218: {  	_ =	swait.ge [sflag:s8], $0x800  }
0x219: {  	s10 =	rddreg [dreg:$0x19]  }
0x21a: {  	s9 =	rddreg [dreg:$0x9];
	s10 =	sadd.s32 $0x1, s10  }
0x21b: {  	p0 =	sne.s32 s10, s9  }
.Ltmp2:
0x21c: {  	_ = 	snop;
	(pc) =	sbr.rel @p0 .LBB2_1-.Ltmp2, $3  }
0x21d: {  	_ =	sdelay $0x1  }
0x21e: {  	[sflag:s8] =	ssyncset.done $0x0  }
0x21f: {  	[sflag:s8] =	ssyncadd.s32 $0xFFFFF800  }
0x220: {  	_ =	sfence.sel $0x180000  }
0x221: {  	[bflag:$0x0] =	sbarrier.arrive $0xFFFF  }
0x222: {  	_ =	strace $0x90000047  }
0x223: {  	s0 =	stileid.u32;
	[bflag:$0x2] =	sbarrier.arrive $0xFFFF  }
0x224: {  	p0 =	sne.s32 s0, $0x0;
	s0 =	rddreg [dreg:$0x3]  }
0x225: {  	s0 =	sadd.s32 @!p0 $0x100000, s0  }
0x226: {  	[sflag:s0] =	ssyncadd.tile.s32 @!p0 $0x1;
	_ =	shalt  }
.Lfunc_end2:
_tile_overlayer_lowered:
.L_overlay_start_2:
0x227: {  	(tag) =	ssettag $0x2  }
0x228: {  	s0 =	rddreg [dreg:$0x0];
	s2 =	stileid.u32  }
0x229: {  	s1 =	rddreg [dreg:$0x1];
	p0 =	sne.s32 s2, $0x0  }
0x22a: {  	s3 =	rddreg [dreg:$0x2];
	[bflag:$0x3] =	sbarrier.arrive $0xFFFF;
	s2 =	simm.s32 @!p0 $0x1C03  }
0x22b: {  	[timem:s3], [sflag:s2] =	dma.local @!p0 [hbm:s0], s1  }
0x22c: {  	s0 =	simm.s32 @!p0 $0x3  }
0x22d: {  	_ =	swait.ge @!p0 [sflag:s0], s1  }
0x22e: {  	s1 =	ssub.s32 @!p0 $0x0, s1;
	[sflag:s0] =	ssyncset.done @!p0 $0x0  }
0x22f: {  	[sflag:s0] =	ssyncadd.s32 @!p0 s1  }
0x230: {  	[bflag:$0x3] =	sbarrier.arrive $0xFFFF  }
0x231: {  	_ =	shalt  }

</sc_bundles>
